<compile_context>
chip_gen: v7x
topology: tpu7x:2x2x1
jax: 0.10.2.dev20260603
libtpu: 0.0.44.dev20260713+nightly
codegen_flags: <defaults>
</compile_context>

<pallas_src>
import functools

import jax
import jax.numpy as jnp
from jax import lax
from jax.experimental import pallas as pl
from jax.experimental.pallas import tpu as pltpu
from jax.experimental.pallas import tpu_sc as plsc

B = 16384
D_GMF = 32
D_MLP = 128
NC = 2
NS = 16
NW = NC * NS
BPW = B // NW
CH = 128
NCH = BPW // CH


def _gather_pair(u_h, i_h, out_u, out_i, uidx, iidx, bu, bi, sem, base):
    nbuf = 2
    copies = [None] * (2 * NCH)

    def fire(j):
        copies[2 * j] = pltpu.async_copy(u_h.at[uidx.at[j]], bu.at[j % nbuf],
                                         sem)
        copies[2 * j + 1] = pltpu.async_copy(i_h.at[iidx.at[j]],
                                             bi.at[j % nbuf], sem)

    for j in range(nbuf):
        fire(j)
    for j in range(NCH):
        r0 = base + j * CH
        copies[2 * j].wait()
        pltpu.sync_copy(bu.at[j % nbuf], out_u.at[pl.ds(r0, CH)])
        copies[2 * j + 1].wait()
        pltpu.sync_copy(bi.at[j % nbuf], out_i.at[pl.ds(r0, CH)])
        if j + nbuf < NCH:
            fire(j + nbuf)


@functools.cache
def _make_sc_mlp_gather():
    mesh = plsc.VectorSubcoreMesh(core_axis_name="c", subcore_axis_name="s")

    @functools.partial(
        pl.kernel,
        mesh=mesh,
        out_type=(
            jax.ShapeDtypeStruct((B, D_MLP), jnp.float32),
            jax.ShapeDtypeStruct((B, D_MLP), jnp.float32),
        ),
        scratch_types=[
            pltpu.VMEM((NCH, CH), jnp.int32),
            pltpu.VMEM((NCH, CH), jnp.int32),
            pltpu.VMEM((2, CH, D_MLP), jnp.float32),
            pltpu.VMEM((2, CH, D_MLP), jnp.float32),
            pltpu.SemaphoreType.DMA,
        ],
    )
    def _sc_mlp(user_h, item_h, um_h, im_h, out_um, out_im,
                uidx, iidx, bum, bim, sem):
        wid = lax.axis_index("s") * NC + lax.axis_index("c")
        base = wid * BPW
        pltpu.sync_copy(user_h.at[wid], uidx)
        pltpu.sync_copy(item_h.at[wid], iidx)
        _gather_pair(um_h, im_h, out_um, out_im, uidx, iidx, bum, bim, sem,
                     base)

    return _sc_mlp


@functools.cache
def _make_sc_gmf_gather():
    mesh = plsc.VectorSubcoreMesh(core_axis_name="c", subcore_axis_name="s")

    @functools.partial(
        pl.kernel,
        mesh=mesh,
        out_type=(
            jax.ShapeDtypeStruct((B, D_MLP), jnp.float32),
            jax.ShapeDtypeStruct((B, D_MLP), jnp.float32),
        ),
        scratch_types=[
            pltpu.VMEM((NCH, CH), jnp.int32),
            pltpu.VMEM((NCH, CH), jnp.int32),
            pltpu.VMEM((2, CH, D_MLP), jnp.float32),
            pltpu.VMEM((2, CH, D_MLP), jnp.float32),
            pltpu.SemaphoreType.DMA,
        ],
    )
    def _sc_gmf(user_h, item_h, ug_h, ig_h, out_ug, out_ig,
                uidx, iidx, bug, big, sem):
        wid = lax.axis_index("s") * NC + lax.axis_index("c")
        base = wid * BPW
        pltpu.sync_copy(user_h.at[wid], uidx)
        pltpu.sync_copy(item_h.at[wid], iidx)
        _gather_pair(ug_h, ig_h, out_ug, out_ig, uidx, iidx, bug, big, sem,
                     base)

    return _sc_gmf


PACK_CHK = 8192
PACK_SHIFT = 13
PACK_Q = PACK_CHK // 4
PACK_GRID = -(-1000000 // PACK_CHK)


def _pack_body(tu, ti, ou, oi):
    q = PACK_CHK // 4
    eye = jax.lax.broadcasted_iota(jnp.int32, (D_GMF, D_GMF), 0) == \
        jax.lax.broadcasted_iota(jnp.int32, (D_GMF, D_GMF), 1)
    eye = eye.astype(jnp.float32)
    for t_ref, o_ref in ((tu, ou), (ti, oi)):
        for k in range(4):
            xk = t_ref[:, q * k:q * (k + 1)]
            yk = jax.lax.dot_general(
                xk, eye, (((0,), (0,)), ((), ())),
                preferred_element_type=jnp.float32)
            o_ref[:, 32 * k:32 * k + 32] = yk

    @pl.when(pl.program_id(0) == PACK_GRID - 1)
    def _():
        ou[:, D_GMF:] = jnp.zeros((q, D_MLP - D_GMF), jnp.float32)
        oi[:, D_GMF:] = jnp.zeros((q, D_MLP - D_GMF), jnp.float32)


_pack_call = pl.pallas_call(
    _pack_body,
    grid=(PACK_GRID,),
    in_specs=[
        pl.BlockSpec((D_GMF, PACK_CHK), lambda i: (0, i)),
        pl.BlockSpec((D_GMF, PACK_CHK), lambda i: (0, i)),
    ],
    out_specs=[
        pl.BlockSpec((PACK_CHK // 4, D_MLP), lambda i: (i, 0)),
        pl.BlockSpec((PACK_CHK // 4, D_MLP), lambda i: (i, 0)),
    ],
    out_shape=[
        jax.ShapeDtypeStruct((PACK_GRID * PACK_CHK // 4, D_MLP), jnp.float32),
        jax.ShapeDtypeStruct((PACK_GRID * PACK_CHK // 4, D_MLP), jnp.float32),
    ],
    compiler_params=pltpu.CompilerParams(fuse_transposed_lhs_in_matmul=True),
)


BLK = 2048
NB = B // BLK


def _tc_body(ug, ig, um, im, ohu, ohi, w1a, w1b, b1r, w2, b2r, w3, b3r, wpg,
             wph, bpr, out):
    ug128, ig128 = ug[...], ig[...]
    g_u = sum(ohu[...][:, k:k + 1] * ug128[:, 32 * k:32 * k + 32]
              for k in range(4))
    g_i = sum(ohi[...][:, k:k + 1] * ig128[:, 32 * k:32 * k + 32]
              for k in range(4))
    g = g_u * g_i
    h = jnp.dot(um[...], w1a[...], preferred_element_type=jnp.float32)
    h = h + jnp.dot(im[...], w1b[...], preferred_element_type=jnp.float32)
    h = jnp.maximum(h + b1r[...], 0.0)
    h = jnp.maximum(
        jnp.dot(h, w2[...], preferred_element_type=jnp.float32) + b2r[...], 0.0)
    h = jnp.maximum(
        jnp.dot(h, w3[...], preferred_element_type=jnp.float32) + b3r[...], 0.0)
    p = jnp.dot(g, wpg[...], preferred_element_type=jnp.float32)
    p = p + jnp.dot(h, wph[...], preferred_element_type=jnp.float32)
    out[...] = p + bpr[...]


def _full(shape):
    return pl.BlockSpec(shape, lambda i: (0, 0))


_tc_call = pl.pallas_call(
    _tc_body,
    grid=(NB,),
    in_specs=[
        pl.BlockSpec((BLK, D_MLP), lambda i: (i, 0)),
        pl.BlockSpec((BLK, D_MLP), lambda i: (i, 0)),
        pl.BlockSpec((BLK, D_MLP), lambda i: (i, 0)),
        pl.BlockSpec((BLK, D_MLP), lambda i: (i, 0)),
        pl.BlockSpec((BLK, 4), lambda i: (i, 0)),
        pl.BlockSpec((BLK, 4), lambda i: (i, 0)),
        _full((128, 128)),
        _full((128, 128)),
        _full((1, 128)),
        _full((128, 64)),
        _full((1, 64)),
        _full((64, 32)),
        _full((1, 32)),
        _full((32, 8)),
        _full((32, 8)),
        _full((1, 8)),
    ],
    out_specs=pl.BlockSpec((BLK, 8), lambda i: (i, 0)),
    out_shape=jax.ShapeDtypeStruct((B, 8), jnp.float32),
)


def kernel(user, item, embed_user_gmf, embed_item_gmf, embed_user_mlp,
           embed_item_mlp, W1, b1, W2, b2, W3, b3, W_pred, b_pred):
    u3 = user.reshape(NW, NCH, CH)
    i3 = item.reshape(NW, NCH, CH)
    g_um, g_im = _make_sc_mlp_gather()(
        u3, i3, embed_user_mlp, embed_item_mlp)
    q = PACK_Q
    u4 = ((user >> PACK_SHIFT) * q + (user & (q - 1))).reshape(NW, NCH, CH)
    i4 = ((item >> PACK_SHIFT) * q + (item & (q - 1))).reshape(NW, NCH, CH)
    pk_u, pk_i = _pack_call(embed_user_gmf.T, embed_item_gmf.T)
    g_ug, g_ig = _make_sc_gmf_gather()(u4, i4, pk_u, pk_i)
    lanes = jnp.arange(4, dtype=jnp.int32)[None, :]
    ohu = (((user & (PACK_CHK - 1)) // q)[:, None] == lanes).astype(
        jnp.float32)
    ohi = (((item & (PACK_CHK - 1)) // q)[:, None] == lanes).astype(
        jnp.float32)
    w1t = W1.T
    w1a, w1b = w1t[:D_MLP], w1t[D_MLP:]
    wpt = W_pred.T
    wpg = jnp.broadcast_to(wpt[:D_GMF], (D_GMF, 8))
    wph = jnp.broadcast_to(wpt[D_GMF:], (D_GMF, 8))
    bpr = jnp.broadcast_to(b_pred.reshape(1, 1), (1, 8))
    p8 = _tc_call(g_ug, g_ig, g_um, g_im, ohu, ohi, w1a, w1b,
                  b1.reshape(1, -1), W2.T, b2.reshape(1, -1), W3.T,
                  b3.reshape(1, -1), wpg, wph, bpr)
    return p8[:, 0]

# --- scband reference (transcript-rebuilt; emitter-appended) ---
"""Pipeline reference for scband-ncf-13786845020309 (READ-ONLY COPY).

The authoritative reference and input builder live on the scoring server;
editing this copy changes nothing except your own understanding.
"""

import jax, jax.numpy as jnp
import numpy as np

USER_NUM = 1000000
ITEM_NUM = 1000000
FACTOR = 32
NUM_LAYERS = 3
BATCH = 16384


def setup_inputs(seed: int = 0) -> dict:
    key = jax.random.key(seed)
    ks = jax.random.split(key, 16)
    mlp_dim = FACTOR * 2 ** (NUM_LAYERS - 1)  # 128
    user = jax.random.randint(ks[0], (BATCH,), 0, USER_NUM, dtype=jnp.int64 if jax.config.jax_enable_x64 else jnp.int32).astype(jnp.int32)
    item = jax.random.randint(ks[1], (BATCH,), 0, ITEM_NUM, dtype=jnp.int32)
    embed_user_gmf = 0.01 * jax.random.normal(ks[2], (USER_NUM, FACTOR), dtype=jnp.float32)
    embed_item_gmf = 0.01 * jax.random.normal(ks[3], (ITEM_NUM, FACTOR), dtype=jnp.float32)
    embed_user_mlp = 0.01 * jax.random.normal(ks[4], (USER_NUM, mlp_dim), dtype=jnp.float32)
    embed_item_mlp = 0.01 * jax.random.normal(ks[5], (ITEM_NUM, mlp_dim), dtype=jnp.float32)
    # MLP layers: input sizes 256 -> 128 -> 64 -> 32
    Ws = []
    bs = []
    for i in range(NUM_LAYERS):
        in_size = FACTOR * 2 ** (NUM_LAYERS - i)
        out_size = in_size // 2
        bound = float(np.sqrt(6.0 / (in_size + out_size)))  # xavier_uniform
        Ws.append(jax.random.uniform(ks[6 + i], (out_size, in_size), dtype=jnp.float32, minval=-bound, maxval=bound))
        bs.append(jnp.zeros((out_size,), dtype=jnp.float32))
    predict_size = FACTOR * 2
    bound_p = float(np.sqrt(3.0) / np.sqrt(predict_size))
    W_pred = jax.random.uniform(ks[12], (1, predict_size), dtype=jnp.float32, minval=-bound_p, maxval=bound_p)
    b_pred = jnp.zeros((1,), dtype=jnp.float32)
    return {
        "user": user, "item": item,
        "embed_user_gmf": embed_user_gmf, "embed_item_gmf": embed_item_gmf,
        "embed_user_mlp": embed_user_mlp, "embed_item_mlp": embed_item_mlp,
        "W1": Ws[0], "b1": bs[0], "W2": Ws[1], "b2": bs[1], "W3": Ws[2], "b3": bs[2],
        "W_pred": W_pred, "b_pred": b_pred,
    }


def reference(user, item, embed_user_gmf, embed_item_gmf, embed_user_mlp, embed_item_mlp,
              W1, b1, W2, b2, W3, b3, W_pred, b_pred):
    eu_gmf = jnp.take(embed_user_gmf, user, axis=0)
    ei_gmf = jnp.take(embed_item_gmf, item, axis=0)
    output_gmf = eu_gmf * ei_gmf
    eu_mlp = jnp.take(embed_user_mlp, user, axis=0)
    ei_mlp = jnp.take(embed_item_mlp, item, axis=0)
    x = jnp.concatenate((eu_mlp, ei_mlp), axis=-1)
    x = jax.nn.relu(x @ W1.T + b1)
    x = jax.nn.relu(x @ W2.T + b2)
    x = jax.nn.relu(x @ W3.T + b3)
    concat = jnp.concatenate((output_gmf, x), axis=-1)
    prediction = concat @ W_pred.T + b_pred
    return prediction.reshape(-1)

if __name__ == "__main__":
    import jax
    _d = setup_inputs()
    print(jax.jit(kernel)(*tuple(_d.values())))

</pallas_src>

<mosaic_0001>
#map = affine_map<(d0, d1) -> (0, 0, 0)>
#map1 = affine_map<(d0, d1) -> (0, 0)>
module attributes {stable_mosaic.version = 14 : i64} {
  func.func @_sc_mlp(%arg0: i32, %arg1: i32, %arg2: memref<32x4x128xi32, #tpu.memory_space<hbm>>, %arg3: memref<32x4x128xi32, #tpu.memory_space<hbm>>, %arg4: memref<1000000x128xf32, #tpu.memory_space<hbm>>, %arg5: memref<1000000x128xf32, #tpu.memory_space<hbm>>, %arg6: memref<16384x128xf32, #tpu.memory_space<hbm>>, %arg7: memref<16384x128xf32, #tpu.memory_space<hbm>>, %arg8: memref<4x128xi32, #tpu.memory_space<vmem>>, %arg9: memref<4x128xi32, #tpu.memory_space<vmem>>, %arg10: memref<2x128x128xf32, #tpu.memory_space<vmem>>, %arg11: memref<2x128x128xf32, #tpu.memory_space<vmem>>, %arg12: memref<!tpu.dma_semaphore, #tpu.memory_space<semaphore_mem>>) attributes {dimension_semantics = [#tpu.dimension_semantics<core_parallel>, #tpu.dimension_semantics<subcore_parallel>], iteration_bounds = array<i64: 2, 16>, scalar_prefetch = 0 : i64, scratch_operands = 5 : i64, tpu.core_type = #tpu.core_type<sc_vector_subcore>, window_params = [{transform_indices = #map}, {transform_indices = #map}, {transform_indices = #map1}, {transform_indices = #map1}, {transform_indices = #map1}, {transform_indices = #map1}]} {
    %mul3A = arith.constant 2 : i32
    %mul3A_0 = arith.muli %arg1, %mul3A : i32
    %add3A = arith.addi %mul3A_0, %arg0 : i32
    %mul3A_1 = arith.constant 512 : i32
    %mul3A_2 = arith.muli %add3A, %mul3A_1 : i32
    "tpu.region"() ({
      %run_scoped3A_208 = tpu.sem_alloc : memref<!tpu.dma_semaphore, #tpu.memory_space<semaphore_mem>>
      %dma_start3A_209 = arith.constant 0 : i32
      %dma_start3A_210 = arith.constant 0 : i32
      %dma_start3A_211 = tpu.memref_slice %arg2[%add3A, %dma_start3A_209, %dma_start3A_210] : memref<32x4x128xi32, #tpu.memory_space<hbm>> -> memref<1x4x128xi32, #tpu.memory_space<hbm>>
      %dma_start3A_212 = tpu.memref_squeeze %dma_start3A_211 : memref<1x4x128xi32, #tpu.memory_space<hbm>> -> memref<4x128xi32, #tpu.memory_space<hbm>>
      %dma_start3A_213 = arith.constant 0 : i32
      %dma_start3A_214 = arith.constant 0 : i32
      %dma_start3A_215 = tpu.memref_slice %arg2[%add3A, %dma_start3A_213, %dma_start3A_214] : memref<32x4x128xi32, #tpu.memory_space<hbm>> -> memref<1x4x128xi32, #tpu.memory_space<hbm>>
      %dma_start3A_216 = tpu.memref_squeeze %dma_start3A_215 : memref<1x4x128xi32, #tpu.memory_space<hbm>> -> memref<4x128xi32, #tpu.memory_space<hbm>>
      tpu.enqueue_dma source(%dma_start3A_216 : memref<4x128xi32, #tpu.memory_space<hbm>>) target(%arg8 : memref<4x128xi32, #tpu.memory_space<vmem>>) target_semaphore(%run_scoped3A_208 : memref<!tpu.dma_semaphore, #tpu.memory_space<semaphore_mem>>)
      %dma_wait3A_217 = arith.constant 0 : i32
      %dma_wait3A_218 = arith.constant 0 : i32
      %dma_wait3A_219 = tpu.memref_slice %arg2[%add3A, %dma_wait3A_217, %dma_wait3A_218] : memref<32x4x128xi32, #tpu.memory_space<hbm>> -> memref<1x4x128xi32, #tpu.memory_space<hbm>>
      %dma_wait3A_220 = tpu.memref_squeeze %dma_wait3A_219 : memref<1x4x128xi32, #tpu.memory_space<hbm>> -> memref<4x128xi32, #tpu.memory_space<hbm>>
      %dma_wait3A_221 = arith.constant 0 : i32
      %dma_wait3A_222 = arith.constant 0 : i32
      %dma_wait3A_223 = tpu.memref_slice %arg2[%add3A, %dma_wait3A_221, %dma_wait3A_222] : memref<32x4x128xi32, #tpu.memory_space<hbm>> -> memref<1x4x128xi32, #tpu.memory_space<hbm>>
      %dma_wait3A_224 = tpu.memref_squeeze %dma_wait3A_223 : memref<1x4x128xi32, #tpu.memory_space<hbm>> -> memref<4x128xi32, #tpu.memory_space<hbm>>
      tpu.wait_dma2 semaphore(%run_scoped3A_208 : memref<!tpu.dma_semaphore, #tpu.memory_space<semaphore_mem>>) src(%dma_wait3A_224 : memref<4x128xi32, #tpu.memory_space<hbm>>) dst(%arg8 : memref<4x128xi32, #tpu.memory_space<vmem>>)
      tpu.yield
    }) : () -> ()
    "tpu.region"() ({
      %run_scoped3A_208 = tpu.sem_alloc : memref<!tpu.dma_semaphore, #tpu.memory_space<semaphore_mem>>
      %dma_start3A_209 = arith.constant 0 : i32
      %dma_start3A_210 = arith.constant 0 : i32
      %dma_start3A_211 = tpu.memref_slice %arg3[%add3A, %dma_start3A_209, %dma_start3A_210] : memref<32x4x128xi32, #tpu.memory_space<hbm>> -> memref<1x4x128xi32, #tpu.memory_space<hbm>>
      %dma_start3A_212 = tpu.memref_squeeze %dma_start3A_211 : memref<1x4x128xi32, #tpu.memory_space<hbm>> -> memref<4x128xi32, #tpu.memory_space<hbm>>
      %dma_start3A_213 = arith.constant 0 : i32
      %dma_start3A_214 = arith.constant 0 : i32
      %dma_start3A_215 = tpu.memref_slice %arg3[%add3A, %dma_start3A_213, %dma_start3A_214] : memref<32x4x128xi32, #tpu.memory_space<hbm>> -> memref<1x4x128xi32, #tpu.memory_space<hbm>>
      %dma_start3A_216 = tpu.memref_squeeze %dma_start3A_215 : memref<1x4x128xi32, #tpu.memory_space<hbm>> -> memref<4x128xi32, #tpu.memory_space<hbm>>
      tpu.enqueue_dma source(%dma_start3A_216 : memref<4x128xi32, #tpu.memory_space<hbm>>) target(%arg9 : memref<4x128xi32, #tpu.memory_space<vmem>>) target_semaphore(%run_scoped3A_208 : memref<!tpu.dma_semaphore, #tpu.memory_space<semaphore_mem>>)
      %dma_wait3A_217 = arith.constant 0 : i32
      %dma_wait3A_218 = arith.constant 0 : i32
      %dma_wait3A_219 = tpu.memref_slice %arg3[%add3A, %dma_wait3A_217, %dma_wait3A_218] : memref<32x4x128xi32, #tpu.memory_space<hbm>> -> memref<1x4x128xi32, #tpu.memory_space<hbm>>
      %dma_wait3A_220 = tpu.memref_squeeze %dma_wait3A_219 : memref<1x4x128xi32, #tpu.memory_space<hbm>> -> memref<4x128xi32, #tpu.memory_space<hbm>>
      %dma_wait3A_221 = arith.constant 0 : i32
      %dma_wait3A_222 = arith.constant 0 : i32
      %dma_wait3A_223 = tpu.memref_slice %arg3[%add3A, %dma_wait3A_221, %dma_wait3A_222] : memref<32x4x128xi32, #tpu.memory_space<hbm>> -> memref<1x4x128xi32, #tpu.memory_space<hbm>>
      %dma_wait3A_224 = tpu.memref_squeeze %dma_wait3A_223 : memref<1x4x128xi32, #tpu.memory_space<hbm>> -> memref<4x128xi32, #tpu.memory_space<hbm>>
      tpu.wait_dma2 semaphore(%run_scoped3A_208 : memref<!tpu.dma_semaphore, #tpu.memory_space<semaphore_mem>>) src(%dma_wait3A_224 : memref<4x128xi32, #tpu.memory_space<hbm>>) dst(%arg9 : memref<4x128xi32, #tpu.memory_space<vmem>>)
      tpu.yield
    }) : () -> ()
    %dma_start3A = arith.constant 0 : i32
    %dma_start3A_3 = arith.constant 0 : i32
    %dma_start3A_4 = arith.constant 0 : i32
    %dma_start3A_5 = arith.constant 0 : i32
    %dma_start3A_6 = tpu.memref_slice %arg10[%dma_start3A_3, %dma_start3A_4, %dma_start3A_5] : memref<2x128x128xf32, #tpu.memory_space<vmem>> -> memref<1x128x128xf32, #tpu.memory_space<vmem>>
    %dma_start3A_7 = tpu.memref_squeeze %dma_start3A_6 : memref<1x128x128xf32, #tpu.memory_space<vmem>> -> memref<128x128xf32, #tpu.memory_space<vmem>>
    %dma_start3A_8 = arith.constant 0 : i32
    %dma_start3A_9 = tpu.memref_slice %arg8[%dma_start3A, %dma_start3A_8] : memref<4x128xi32, #tpu.memory_space<vmem>> -> memref<1x128xi32, #tpu.memory_space<vmem>>
    %dma_start3A_10 = tpu.memref_squeeze %dma_start3A_9 : memref<1x128xi32, #tpu.memory_space<vmem>> -> memref<128xi32, #tpu.memory_space<vmem>>
    %dma_start3A_11 = arith.constant 0 : i32
    %dma_start3A_12 = arith.constant 0 : i32
    %dma_start3A_13 = tpu.memref_slice %arg4[%dma_start3A_11, %dma_start3A_12] : memref<1000000x128xf32, #tpu.memory_space<hbm>> -> memref<1000000x128xf32, #tpu.memory_space<hbm>>
    tpu.enqueue_indirect_dma source(%dma_start3A_13 : memref<1000000x128xf32, #tpu.memory_space<hbm>>) target(%dma_start3A_7 : memref<128x128xf32, #tpu.memory_space<vmem>>) offsets(%dma_start3A_10 : memref<128xi32, #tpu.memory_space<vmem>>) semaphore(%arg12 : memref<!tpu.dma_semaphore, #tpu.memory_space<semaphore_mem>>)
    %dma_start3A_14 = arith.constant 0 : i32
    %dma_start3A_15 = arith.constant 0 : i32
    %dma_start3A_16 = arith.constant 0 : i32
    %dma_start3A_17 = arith.constant 0 : i32
    %dma_start3A_18 = tpu.memref_slice %arg11[%dma_start3A_15, %dma_start3A_16, %dma_start3A_17] : memref<2x128x128xf32, #tpu.memory_space<vmem>> -> memref<1x128x128xf32, #tpu.memory_space<vmem>>
    %dma_start3A_19 = tpu.memref_squeeze %dma_start3A_18 : memref<1x128x128xf32, #tpu.memory_space<vmem>> -> memref<128x128xf32, #tpu.memory_space<vmem>>
    %dma_start3A_20 = arith.constant 0 : i32
    %dma_start3A_21 = tpu.memref_slice %arg9[%dma_start3A_14, %dma_start3A_20] : memref<4x128xi32, #tpu.memory_space<vmem>> -> memref<1x128xi32, #tpu.memory_space<vmem>>
    %dma_start3A_22 = tpu.memref_squeeze %dma_start3A_21 : memref<1x128xi32, #tpu.memory_space<vmem>> -> memref<128xi32, #tpu.memory_space<vmem>>
    %dma_start3A_23 = arith.constant 0 : i32
    %dma_start3A_24 = arith.constant 0 : i32
    %dma_start3A_25 = tpu.memref_slice %arg5[%dma_start3A_23, %dma_start3A_24] : memref<1000000x128xf32, #tpu.memory_space<hbm>> -> memref<1000000x128xf32, #tpu.memory_space<hbm>>
    tpu.enqueue_indirect_dma source(%dma_start3A_25 : memref<1000000x128xf32, #tpu.memory_space<hbm>>) target(%dma_start3A_19 : memref<128x128xf32, #tpu.memory_space<vmem>>) offsets(%dma_start3A_22 : memref<128xi32, #tpu.memory_space<vmem>>) semaphore(%arg12 : memref<!tpu.dma_semaphore, #tpu.memory_space<semaphore_mem>>)
    %dma_start3A_26 = arith.constant 1 : i32
    %dma_start3A_27 = arith.constant 1 : i32
    %dma_start3A_28 = arith.constant 0 : i32
    %dma_start3A_29 = arith.constant 0 : i32
    %dma_start3A_30 = tpu.memref_slice %arg10[%dma_start3A_27, %dma_start3A_28, %dma_start3A_29] : memref<2x128x128xf32, #tpu.memory_space<vmem>> -> memref<1x128x128xf32, #tpu.memory_space<vmem>>
    %dma_start3A_31 = tpu.memref_squeeze %dma_start3A_30 : memref<1x128x128xf32, #tpu.memory_space<vmem>> -> memref<128x128xf32, #tpu.memory_space<vmem>>
    %dma_start3A_32 = arith.constant 0 : i32
    %dma_start3A_33 = tpu.memref_slice %arg8[%dma_start3A_26, %dma_start3A_32] : memref<4x128xi32, #tpu.memory_space<vmem>> -> memref<1x128xi32, #tpu.memory_space<vmem>>
    %dma_start3A_34 = tpu.memref_squeeze %dma_start3A_33 : memref<1x128xi32, #tpu.memory_space<vmem>> -> memref<128xi32, #tpu.memory_space<vmem>>
    %dma_start3A_35 = arith.constant 0 : i32
    %dma_start3A_36 = arith.constant 0 : i32
    %dma_start3A_37 = tpu.memref_slice %arg4[%dma_start3A_35, %dma_start3A_36] : memref<1000000x128xf32, #tpu.memory_space<hbm>> -> memref<1000000x128xf32, #tpu.memory_space<hbm>>
    tpu.enqueue_indirect_dma source(%dma_start3A_37 : memref<1000000x128xf32, #tpu.memory_space<hbm>>) target(%dma_start3A_31 : memref<128x128xf32, #tpu.memory_space<vmem>>) offsets(%dma_start3A_34 : memref<128xi32, #tpu.memory_space<vmem>>) semaphore(%arg12 : memref<!tpu.dma_semaphore, #tpu.memory_space<semaphore_mem>>)
    %dma_start3A_38 = arith.constant 1 : i32
    %dma_start3A_39 = arith.constant 1 : i32
    %dma_start3A_40 = arith.constant 0 : i32
    %dma_start3A_41 = arith.constant 0 : i32
    %dma_start3A_42 = tpu.memref_slice %arg11[%dma_start3A_39, %dma_start3A_40, %dma_start3A_41] : memref<2x128x128xf32, #tpu.memory_space<vmem>> -> memref<1x128x128xf32, #tpu.memory_space<vmem>>
    %dma_start3A_43 = tpu.memref_squeeze %dma_start3A_42 : memref<1x128x128xf32, #tpu.memory_space<vmem>> -> memref<128x128xf32, #tpu.memory_space<vmem>>
    %dma_start3A_44 = arith.constant 0 : i32
    %dma_start3A_45 = tpu.memref_slice %arg9[%dma_start3A_38, %dma_start3A_44] : memref<4x128xi32, #tpu.memory_space<vmem>> -> memref<1x128xi32, #tpu.memory_space<vmem>>
    %dma_start3A_46 = tpu.memref_squeeze %dma_start3A_45 : memref<1x128xi32, #tpu.memory_space<vmem>> -> memref<128xi32, #tpu.memory_space<vmem>>
    %dma_start3A_47 = arith.constant 0 : i32
    %dma_start3A_48 = arith.constant 0 : i32
    %dma_start3A_49 = tpu.memref_slice %arg5[%dma_start3A_47, %dma_start3A_48] : memref<1000000x128xf32, #tpu.memory_space<hbm>> -> memref<1000000x128xf32, #tpu.memory_space<hbm>>
    tpu.enqueue_indirect_dma source(%dma_start3A_49 : memref<1000000x128xf32, #tpu.memory_space<hbm>>) target(%dma_start3A_43 : memref<128x128xf32, #tpu.memory_space<vmem>>) offsets(%dma_start3A_46 : memref<128xi32, #tpu.memory_space<vmem>>) semaphore(%arg12 : memref<!tpu.dma_semaphore, #tpu.memory_space<semaphore_mem>>)
    %add3A_50 = arith.constant 0 : i32
    %add3A_51 = arith.addi %mul3A_2, %add3A_50 : i32
    %dma_wait3A = arith.constant 0 : i32
    %dma_wait3A_52 = arith.constant 0 : i32
    %dma_wait3A_53 = arith.constant 0 : i32
    %dma_wait3A_54 = arith.constant 0 : i32
    %dma_wait3A_55 = tpu.memref_slice %arg10[%dma_wait3A_52, %dma_wait3A_53, %dma_wait3A_54] : memref<2x128x128xf32, #tpu.memory_space<vmem>> -> memref<1x128x128xf32, #tpu.memory_space<vmem>>
    %dma_wait3A_56 = tpu.memref_squeeze %dma_wait3A_55 : memref<1x128x128xf32, #tpu.memory_space<vmem>> -> memref<128x128xf32, #tpu.memory_space<vmem>>
    %dma_wait3A_57 = arith.constant 0 : i32
    %dma_wait3A_58 = tpu.memref_slice %arg8[%dma_wait3A, %dma_wait3A_57] : memref<4x128xi32, #tpu.memory_space<vmem>> -> memref<1x128xi32, #tpu.memory_space<vmem>>
    %dma_wait3A_59 = tpu.memref_squeeze %dma_wait3A_58 : memref<1x128xi32, #tpu.memory_space<vmem>> -> memref<128xi32, #tpu.memory_space<vmem>>
    %dma_wait3A_60 = arith.constant 0 : i32
    %dma_wait3A_61 = arith.constant 0 : i32
    %dma_wait3A_62 = tpu.memref_slice %arg4[%dma_wait3A_60, %dma_wait3A_61] : memref<1000000x128xf32, #tpu.memory_space<hbm>> -> memref<1000000x128xf32, #tpu.memory_space<hbm>>
    tpu.wait_indirect_dma semaphore(%arg12 : memref<!tpu.dma_semaphore, #tpu.memory_space<semaphore_mem>>) src(%dma_wait3A_62 : memref<1000000x128xf32, #tpu.memory_space<hbm>>) dst(%dma_wait3A_56 : memref<128x128xf32, #tpu.memory_space<vmem>>)
    %run_scoped3A = arith.constant 0 : i32
    "tpu.region"() ({
      %run_scoped3A_208 = tpu.sem_alloc : memref<!tpu.dma_semaphore, #tpu.memory_space<semaphore_mem>>
      %dma_start3A_209 = arith.constant 0 : i32
      %dma_start3A_210 = arith.constant 0 : i32
      %dma_start3A_211 = tpu.memref_slice %arg10[%run_scoped3A, %dma_start3A_209, %dma_start3A_210] : memref<2x128x128xf32, #tpu.memory_space<vmem>> -> memref<1x128x128xf32, #tpu.memory_space<vmem>>
      %dma_start3A_212 = tpu.memref_squeeze %dma_start3A_211 : memref<1x128x128xf32, #tpu.memory_space<vmem>> -> memref<128x128xf32, #tpu.memory_space<vmem>>
      %dma_start3A_213 = arith.constant 0 : i32
      %dma_start3A_214 = tpu.memref_slice %arg6[%add3A_51, %dma_start3A_213] : memref<16384x128xf32, #tpu.memory_space<hbm>> -> memref<128x128xf32, #tpu.memory_space<hbm>>
      %dma_start3A_215 = arith.constant 0 : i32
      %dma_start3A_216 = tpu.memref_slice %arg6[%add3A_51, %dma_start3A_215] : memref<16384x128xf32, #tpu.memory_space<hbm>> -> memref<128x128xf32, #tpu.memory_space<hbm>>
      %dma_start3A_217 = arith.constant 0 : i32
      %dma_start3A_218 = arith.constant 0 : i32
      %dma_start3A_219 = tpu.memref_slice %arg10[%run_scoped3A, %dma_start3A_217, %dma_start3A_218] : memref<2x128x128xf32, #tpu.memory_space<vmem>> -> memref<1x128x128xf32, #tpu.memory_space<vmem>>
      %dma_start3A_220 = tpu.memref_squeeze %dma_start3A_219 : memref<1x128x128xf32, #tpu.memory_space<vmem>> -> memref<128x128xf32, #tpu.memory_space<vmem>>
      tpu.enqueue_dma source(%dma_start3A_220 : memref<128x128xf32, #tpu.memory_space<vmem>>) target(%dma_start3A_216 : memref<128x128xf32, #tpu.memory_space<hbm>>) target_semaphore(%run_scoped3A_208 : memref<!tpu.dma_semaphore, #tpu.memory_space<semaphore_mem>>)
      %dma_wait3A_221 = arith.constant 0 : i32
      %dma_wait3A_222 = arith.constant 0 : i32
      %dma_wait3A_223 = tpu.memref_slice %arg10[%run_scoped3A, %dma_wait3A_221, %dma_wait3A_222] : memref<2x128x128xf32, #tpu.memory_space<vmem>> -> memref<1x128x128xf32, #tpu.memory_space<vmem>>
      %dma_wait3A_224 = tpu.memref_squeeze %dma_wait3A_223 : memref<1x128x128xf32, #tpu.memory_space<vmem>> -> memref<128x128xf32, #tpu.memory_space<vmem>>
      %dma_wait3A_225 = arith.constant 0 : i32
      %dma_wait3A_226 = tpu.memref_slice %arg6[%add3A_51, %dma_wait3A_225] : memref<16384x128xf32, #tpu.memory_space<hbm>> -> memref<128x128xf32, #tpu.memory_space<hbm>>
      %dma_wait3A_227 = arith.constant 0 : i32
      %dma_wait3A_228 = tpu.memref_slice %arg6[%add3A_51, %dma_wait3A_227] : memref<16384x128xf32, #tpu.memory_space<hbm>> -> memref<128x128xf32, #tpu.memory_space<hbm>>
      %dma_wait3A_229 = arith.constant 0 : i32
      %dma_wait3A_230 = arith.constant 0 : i32
      %dma_wait3A_231 = tpu.memref_slice %arg10[%run_scoped3A, %dma_wait3A_229, %dma_wait3A_230] : memref<2x128x128xf32, #tpu.memory_space<vmem>> -> memref<1x128x128xf32, #tpu.memory_space<vmem>>
      %dma_wait3A_232 = tpu.memref_squeeze %dma_wait3A_231 : memref<1x128x128xf32, #tpu.memory_space<vmem>> -> memref<128x128xf32, #tpu.memory_space<vmem>>
      tpu.wait_dma2 semaphore(%run_scoped3A_208 : memref<!tpu.dma_semaphore, #tpu.memory_space<semaphore_mem>>) src(%dma_wait3A_232 : memref<128x128xf32, #tpu.memory_space<vmem>>) dst(%dma_wait3A_228 : memref<128x128xf32, #tpu.memory_space<hbm>>)
      tpu.yield
    }) : () -> ()
    %dma_wait3A_63 = arith.constant 0 : i32
    %dma_wait3A_64 = arith.constant 0 : i32
    %dma_wait3A_65 = arith.constant 0 : i32
    %dma_wait3A_66 = arith.constant 0 : i32
    %dma_wait3A_67 = tpu.memref_slice %arg11[%dma_wait3A_64, %dma_wait3A_65, %dma_wait3A_66] : memref<2x128x128xf32, #tpu.memory_space<vmem>> -> memref<1x128x128xf32, #tpu.memory_space<vmem>>
    %dma_wait3A_68 = tpu.memref_squeeze %dma_wait3A_67 : memref<1x128x128xf32, #tpu.memory_space<vmem>> -> memref<128x128xf32, #tpu.memory_space<vmem>>
    %dma_wait3A_69 = arith.constant 0 : i32
    %dma_wait3A_70 = tpu.memref_slice %arg9[%dma_wait3A_63, %dma_wait3A_69] : memref<4x128xi32, #tpu.memory_space<vmem>> -> memref<1x128xi32, #tpu.memory_space<vmem>>
    %dma_wait3A_71 = tpu.memref_squeeze %dma_wait3A_70 : memref<1x128xi32, #tpu.memory_space<vmem>> -> memref<128xi32, #tpu.memory_space<vmem>>
    %dma_wait3A_72 = arith.constant 0 : i32
    %dma_wait3A_73 = arith.constant 0 : i32
    %dma_wait3A_74 = tpu.memref_slice %arg5[%dma_wait3A_72, %dma_wait3A_73] : memref<1000000x128xf32, #tpu.memory_space<hbm>> -> memref<1000000x128xf32, #tpu.memory_space<hbm>>
    tpu.wait_indirect_dma semaphore(%arg12 : memref<!tpu.dma_semaphore, #tpu.memory_space<semaphore_mem>>) src(%dma_wait3A_74 : memref<1000000x128xf32, #tpu.memory_space<hbm>>) dst(%dma_wait3A_68 : memref<128x128xf32, #tpu.memory_space<vmem>>)
    %run_scoped3A_75 = arith.constant 0 : i32
    "tpu.region"() ({
      %run_scoped3A_208 = tpu.sem_alloc : memref<!tpu.dma_semaphore, #tpu.memory_space<semaphore_mem>>
      %dma_start3A_209 = arith.constant 0 : i32
      %dma_start3A_210 = arith.constant 0 : i32
      %dma_start3A_211 = tpu.memref_slice %arg11[%run_scoped3A_75, %dma_start3A_209, %dma_start3A_210] : memref<2x128x128xf32, #tpu.memory_space<vmem>> -> memref<1x128x128xf32, #tpu.memory_space<vmem>>
      %dma_start3A_212 = tpu.memref_squeeze %dma_start3A_211 : memref<1x128x128xf32, #tpu.memory_space<vmem>> -> memref<128x128xf32, #tpu.memory_space<vmem>>
      %dma_start3A_213 = arith.constant 0 : i32
      %dma_start3A_214 = tpu.memref_slice %arg7[%add3A_51, %dma_start3A_213] : memref<16384x128xf32, #tpu.memory_space<hbm>> -> memref<128x128xf32, #tpu.memory_space<hbm>>
      %dma_start3A_215 = arith.constant 0 : i32
      %dma_start3A_216 = tpu.memref_slice %arg7[%add3A_51, %dma_start3A_215] : memref<16384x128xf32, #tpu.memory_space<hbm>> -> memref<128x128xf32, #tpu.memory_space<hbm>>
      %dma_start3A_217 = arith.constant 0 : i32
      %dma_start3A_218 = arith.constant 0 : i32
      %dma_start3A_219 = tpu.memref_slice %arg11[%run_scoped3A_75, %dma_start3A_217, %dma_start3A_218] : memref<2x128x128xf32, #tpu.memory_space<vmem>> -> memref<1x128x128xf32, #tpu.memory_space<vmem>>
      %dma_start3A_220 = tpu.memref_squeeze %dma_start3A_219 : memref<1x128x128xf32, #tpu.memory_space<vmem>> -> memref<128x128xf32, #tpu.memory_space<vmem>>
      tpu.enqueue_dma source(%dma_start3A_220 : memref<128x128xf32, #tpu.memory_space<vmem>>) target(%dma_start3A_216 : memref<128x128xf32, #tpu.memory_space<hbm>>) target_semaphore(%run_scoped3A_208 : memref<!tpu.dma_semaphore, #tpu.memory_space<semaphore_mem>>)
      %dma_wait3A_221 = arith.constant 0 : i32
      %dma_wait3A_222 = arith.constant 0 : i32
      %dma_wait3A_223 = tpu.memref_slice %arg11[%run_scoped3A_75, %dma_wait3A_221, %dma_wait3A_222] : memref<2x128x128xf32, #tpu.memory_space<vmem>> -> memref<1x128x128xf32, #tpu.memory_space<vmem>>
      %dma_wait3A_224 = tpu.memref_squeeze %dma_wait3A_223 : memref<1x128x128xf32, #tpu.memory_space<vmem>> -> memref<128x128xf32, #tpu.memory_space<vmem>>
      %dma_wait3A_225 = arith.constant 0 : i32
      %dma_wait3A_226 = tpu.memref_slice %arg7[%add3A_51, %dma_wait3A_225] : memref<16384x128xf32, #tpu.memory_space<hbm>> -> memref<128x128xf32, #tpu.memory_space<hbm>>
      %dma_wait3A_227 = arith.constant 0 : i32
      %dma_wait3A_228 = tpu.memref_slice %arg7[%add3A_51, %dma_wait3A_227] : memref<16384x128xf32, #tpu.memory_space<hbm>> -> memref<128x128xf32, #tpu.memory_space<hbm>>
      %dma_wait3A_229 = arith.constant 0 : i32
      %dma_wait3A_230 = arith.constant 0 : i32
      %dma_wait3A_231 = tpu.memref_slice %arg11[%run_scoped3A_75, %dma_wait3A_229, %dma_wait3A_230] : memref<2x128x128xf32, #tpu.memory_space<vmem>> -> memref<1x128x128xf32, #tpu.memory_space<vmem>>
      %dma_wait3A_232 = tpu.memref_squeeze %dma_wait3A_231 : memref<1x128x128xf32, #tpu.memory_space<vmem>> -> memref<128x128xf32, #tpu.memory_space<vmem>>
      tpu.wait_dma2 semaphore(%run_scoped3A_208 : memref<!tpu.dma_semaphore, #tpu.memory_space<semaphore_mem>>) src(%dma_wait3A_232 : memref<128x128xf32, #tpu.memory_space<vmem>>) dst(%dma_wait3A_228 : memref<128x128xf32, #tpu.memory_space<hbm>>)
      tpu.yield
    }) : () -> ()
    %dma_start3A_76 = arith.constant 2 : i32
    %dma_start3A_77 = arith.constant 0 : i32
    %dma_start3A_78 = arith.constant 0 : i32
    %dma_start3A_79 = arith.constant 0 : i32
    %dma_start3A_80 = tpu.memref_slice %arg10[%dma_start3A_77, %dma_start3A_78, %dma_start3A_79] : memref<2x128x128xf32, #tpu.memory_space<vmem>> -> memref<1x128x128xf32, #tpu.memory_space<vmem>>
    %dma_start3A_81 = tpu.memref_squeeze %dma_start3A_80 : memref<1x128x128xf32, #tpu.memory_space<vmem>> -> memref<128x128xf32, #tpu.memory_space<vmem>>
    %dma_start3A_82 = arith.constant 0 : i32
    %dma_start3A_83 = tpu.memref_slice %arg8[%dma_start3A_76, %dma_start3A_82] : memref<4x128xi32, #tpu.memory_space<vmem>> -> memref<1x128xi32, #tpu.memory_space<vmem>>
    %dma_start3A_84 = tpu.memref_squeeze %dma_start3A_83 : memref<1x128xi32, #tpu.memory_space<vmem>> -> memref<128xi32, #tpu.memory_space<vmem>>
    %dma_start3A_85 = arith.constant 0 : i32
    %dma_start3A_86 = arith.constant 0 : i32
    %dma_start3A_87 = tpu.memref_slice %arg4[%dma_start3A_85, %dma_start3A_86] : memref<1000000x128xf32, #tpu.memory_space<hbm>> -> memref<1000000x128xf32, #tpu.memory_space<hbm>>
    tpu.enqueue_indirect_dma source(%dma_start3A_87 : memref<1000000x128xf32, #tpu.memory_space<hbm>>) target(%dma_start3A_81 : memref<128x128xf32, #tpu.memory_space<vmem>>) offsets(%dma_start3A_84 : memref<128xi32, #tpu.memory_space<vmem>>) semaphore(%arg12 : memref<!tpu.dma_semaphore, #tpu.memory_space<semaphore_mem>>)
    %dma_start3A_88 = arith.constant 2 : i32
    %dma_start3A_89 = arith.constant 0 : i32
    %dma_start3A_90 = arith.constant 0 : i32
    %dma_start3A_91 = arith.constant 0 : i32
    %dma_start3A_92 = tpu.memref_slice %arg11[%dma_start3A_89, %dma_start3A_90, %dma_start3A_91] : memref<2x128x128xf32, #tpu.memory_space<vmem>> -> memref<1x128x128xf32, #tpu.memory_space<vmem>>
    %dma_start3A_93 = tpu.memref_squeeze %dma_start3A_92 : memref<1x128x128xf32, #tpu.memory_space<vmem>> -> memref<128x128xf32, #tpu.memory_space<vmem>>
    %dma_start3A_94 = arith.constant 0 : i32
    %dma_start3A_95 = tpu.memref_slice %arg9[%dma_start3A_88, %dma_start3A_94] : memref<4x128xi32, #tpu.memory_space<vmem>> -> memref<1x128xi32, #tpu.memory_space<vmem>>
    %dma_start3A_96 = tpu.memref_squeeze %dma_start3A_95 : memref<1x128xi32, #tpu.memory_space<vmem>> -> memref<128xi32, #tpu.memory_space<vmem>>
    %dma_start3A_97 = arith.constant 0 : i32
    %dma_start3A_98 = arith.constant 0 : i32
    %dma_start3A_99 = tpu.memref_slice %arg5[%dma_start3A_97, %dma_start3A_98] : memref<1000000x128xf32, #tpu.memory_space<hbm>> -> memref<1000000x128xf32, #tpu.memory_space<hbm>>
    tpu.enqueue_indirect_dma source(%dma_start3A_99 : memref<1000000x128xf32, #tpu.memory_space<hbm>>) target(%dma_start3A_93 : memref<128x128xf32, #tpu.memory_space<vmem>>) offsets(%dma_start3A_96 : memref<128xi32, #tpu.memory_space<vmem>>) semaphore(%arg12 : memref<!tpu.dma_semaphore, #tpu.memory_space<semaphore_mem>>)
    %add3A_100 = arith.constant 128 : i32
    %add3A_101 = arith.addi %mul3A_2, %add3A_100 : i32
    %dma_wait3A_102 = arith.constant 1 : i32
    %dma_wait3A_103 = arith.constant 1 : i32
    %dma_wait3A_104 = arith.constant 0 : i32
    %dma_wait3A_105 = arith.constant 0 : i32
    %dma_wait3A_106 = tpu.memref_slice %arg10[%dma_wait3A_103, %dma_wait3A_104, %dma_wait3A_105] : memref<2x128x128xf32, #tpu.memory_space<vmem>> -> memref<1x128x128xf32, #tpu.memory_space<vmem>>
    %dma_wait3A_107 = tpu.memref_squeeze %dma_wait3A_106 : memref<1x128x128xf32, #tpu.memory_space<vmem>> -> memref<128x128xf32, #tpu.memory_space<vmem>>
    %dma_wait3A_108 = arith.constant 0 : i32
    %dma_wait3A_109 = tpu.memref_slice %arg8[%dma_wait3A_102, %dma_wait3A_108] : memref<4x128xi32, #tpu.memory_space<vmem>> -> memref<1x128xi32, #tpu.memory_space<vmem>>
    %dma_wait3A_110 = tpu.memref_squeeze %dma_wait3A_109 : memref<1x128xi32, #tpu.memory_space<vmem>> -> memref<128xi32, #tpu.memory_space<vmem>>
    %dma_wait3A_111 = arith.constant 0 : i32
    %dma_wait3A_112 = arith.constant 0 : i32
    %dma_wait3A_113 = tpu.memref_slice %arg4[%dma_wait3A_111, %dma_wait3A_112] : memref<1000000x128xf32, #tpu.memory_space<hbm>> -> memref<1000000x128xf32, #tpu.memory_space<hbm>>
    tpu.wait_indirect_dma semaphore(%arg12 : memref<!tpu.dma_semaphore, #tpu.memory_space<semaphore_mem>>) src(%dma_wait3A_113 : memref<1000000x128xf32, #tpu.memory_space<hbm>>) dst(%dma_wait3A_107 : memref<128x128xf32, #tpu.memory_space<vmem>>)
    %run_scoped3A_114 = arith.constant 1 : i32
    "tpu.region"() ({
      %run_scoped3A_208 = tpu.sem_alloc : memref<!tpu.dma_semaphore, #tpu.memory_space<semaphore_mem>>
      %dma_start3A_209 = arith.constant 0 : i32
      %dma_start3A_210 = arith.constant 0 : i32
      %dma_start3A_211 = tpu.memref_slice %arg10[%run_scoped3A_114, %dma_start3A_209, %dma_start3A_210] : memref<2x128x128xf32, #tpu.memory_space<vmem>> -> memref<1x128x128xf32, #tpu.memory_space<vmem>>
      %dma_start3A_212 = tpu.memref_squeeze %dma_start3A_211 : memref<1x128x128xf32, #tpu.memory_space<vmem>> -> memref<128x128xf32, #tpu.memory_space<vmem>>
      %dma_start3A_213 = arith.constant 0 : i32
      %dma_start3A_214 = tpu.memref_slice %arg6[%add3A_101, %dma_start3A_213] : memref<16384x128xf32, #tpu.memory_space<hbm>> -> memref<128x128xf32, #tpu.memory_space<hbm>>
      %dma_start3A_215 = arith.constant 0 : i32
      %dma_start3A_216 = tpu.memref_slice %arg6[%add3A_101, %dma_start3A_215] : memref<16384x128xf32, #tpu.memory_space<hbm>> -> memref<128x128xf32, #tpu.memory_space<hbm>>
      %dma_start3A_217 = arith.constant 0 : i32
      %dma_start3A_218 = arith.constant 0 : i32
      %dma_start3A_219 = tpu.memref_slice %arg10[%run_scoped3A_114, %dma_start3A_217, %dma_start3A_218] : memref<2x128x128xf32, #tpu.memory_space<vmem>> -> memref<1x128x128xf32, #tpu.memory_space<vmem>>
      %dma_start3A_220 = tpu.memref_squeeze %dma_start3A_219 : memref<1x128x128xf32, #tpu.memory_space<vmem>> -> memref<128x128xf32, #tpu.memory_space<vmem>>
      tpu.enqueue_dma source(%dma_start3A_220 : memref<128x128xf32, #tpu.memory_space<vmem>>) target(%dma_start3A_216 : memref<128x128xf32, #tpu.memory_space<hbm>>) target_semaphore(%run_scoped3A_208 : memref<!tpu.dma_semaphore, #tpu.memory_space<semaphore_mem>>)
      %dma_wait3A_221 = arith.constant 0 : i32
      %dma_wait3A_222 = arith.constant 0 : i32
      %dma_wait3A_223 = tpu.memref_slice %arg10[%run_scoped3A_114, %dma_wait3A_221, %dma_wait3A_222] : memref<2x128x128xf32, #tpu.memory_space<vmem>> -> memref<1x128x128xf32, #tpu.memory_space<vmem>>
      %dma_wait3A_224 = tpu.memref_squeeze %dma_wait3A_223 : memref<1x128x128xf32, #tpu.memory_space<vmem>> -> memref<128x128xf32, #tpu.memory_space<vmem>>
      %dma_wait3A_225 = arith.constant 0 : i32
      %dma_wait3A_226 = tpu.memref_slice %arg6[%add3A_101, %dma_wait3A_225] : memref<16384x128xf32, #tpu.memory_space<hbm>> -> memref<128x128xf32, #tpu.memory_space<hbm>>
      %dma_wait3A_227 = arith.constant 0 : i32
      %dma_wait3A_228 = tpu.memref_slice %arg6[%add3A_101, %dma_wait3A_227] : memref<16384x128xf32, #tpu.memory_space<hbm>> -> memref<128x128xf32, #tpu.memory_space<hbm>>
      %dma_wait3A_229 = arith.constant 0 : i32
      %dma_wait3A_230 = arith.constant 0 : i32
      %dma_wait3A_231 = tpu.memref_slice %arg10[%run_scoped3A_114, %dma_wait3A_229, %dma_wait3A_230] : memref<2x128x128xf32, #tpu.memory_space<vmem>> -> memref<1x128x128xf32, #tpu.memory_space<vmem>>
      %dma_wait3A_232 = tpu.memref_squeeze %dma_wait3A_231 : memref<1x128x128xf32, #tpu.memory_space<vmem>> -> memref<128x128xf32, #tpu.memory_space<vmem>>
      tpu.wait_dma2 semaphore(%run_scoped3A_208 : memref<!tpu.dma_semaphore, #tpu.memory_space<semaphore_mem>>) src(%dma_wait3A_232 : memref<128x128xf32, #tpu.memory_space<vmem>>) dst(%dma_wait3A_228 : memref<128x128xf32, #tpu.memory_space<hbm>>)
      tpu.yield
    }) : () -> ()
    %dma_wait3A_115 = arith.constant 1 : i32
    %dma_wait3A_116 = arith.constant 1 : i32
    %dma_wait3A_117 = arith.constant 0 : i32
    %dma_wait3A_118 = arith.constant 0 : i32
    %dma_wait3A_119 = tpu.memref_slice %arg11[%dma_wait3A_116, %dma_wait3A_117, %dma_wait3A_118] : memref<2x128x128xf32, #tpu.memory_space<vmem>> -> memref<1x128x128xf32, #tpu.memory_space<vmem>>
    %dma_wait3A_120 = tpu.memref_squeeze %dma_wait3A_119 : memref<1x128x128xf32, #tpu.memory_space<vmem>> -> memref<128x128xf32, #tpu.memory_space<vmem>>
    %dma_wait3A_121 = arith.constant 0 : i32
    %dma_wait3A_122 = tpu.memref_slice %arg9[%dma_wait3A_115, %dma_wait3A_121] : memref<4x128xi32, #tpu.memory_space<vmem>> -> memref<1x128xi32, #tpu.memory_space<vmem>>
    %dma_wait3A_123 = tpu.memref_squeeze %dma_wait3A_122 : memref<1x128xi32, #tpu.memory_space<vmem>> -> memref<128xi32, #tpu.memory_space<vmem>>
    %dma_wait3A_124 = arith.constant 0 : i32
    %dma_wait3A_125 = arith.constant 0 : i32
    %dma_wait3A_126 = tpu.memref_slice %arg5[%dma_wait3A_124, %dma_wait3A_125] : memref<1000000x128xf32, #tpu.memory_space<hbm>> -> memref<1000000x128xf32, #tpu.memory_space<hbm>>
    tpu.wait_indirect_dma semaphore(%arg12 : memref<!tpu.dma_semaphore, #tpu.memory_space<semaphore_mem>>) src(%dma_wait3A_126 : memref<1000000x128xf32, #tpu.memory_space<hbm>>) dst(%dma_wait3A_120 : memref<128x128xf32, #tpu.memory_space<vmem>>)
    %run_scoped3A_127 = arith.constant 1 : i32
    "tpu.region"() ({
      %run_scoped3A_208 = tpu.sem_alloc : memref<!tpu.dma_semaphore, #tpu.memory_space<semaphore_mem>>
      %dma_start3A_209 = arith.constant 0 : i32
      %dma_start3A_210 = arith.constant 0 : i32
      %dma_start3A_211 = tpu.memref_slice %arg11[%run_scoped3A_127, %dma_start3A_209, %dma_start3A_210] : memref<2x128x128xf32, #tpu.memory_space<vmem>> -> memref<1x128x128xf32, #tpu.memory_space<vmem>>
      %dma_start3A_212 = tpu.memref_squeeze %dma_start3A_211 : memref<1x128x128xf32, #tpu.memory_space<vmem>> -> memref<128x128xf32, #tpu.memory_space<vmem>>
      %dma_start3A_213 = arith.constant 0 : i32
      %dma_start3A_214 = tpu.memref_slice %arg7[%add3A_101, %dma_start3A_213] : memref<16384x128xf32, #tpu.memory_space<hbm>> -> memref<128x128xf32, #tpu.memory_space<hbm>>
      %dma_start3A_215 = arith.constant 0 : i32
      %dma_start3A_216 = tpu.memref_slice %arg7[%add3A_101, %dma_start3A_215] : memref<16384x128xf32, #tpu.memory_space<hbm>> -> memref<128x128xf32, #tpu.memory_space<hbm>>
      %dma_start3A_217 = arith.constant 0 : i32
      %dma_start3A_218 = arith.constant 0 : i32
      %dma_start3A_219 = tpu.memref_slice %arg11[%run_scoped3A_127, %dma_start3A_217, %dma_start3A_218] : memref<2x128x128xf32, #tpu.memory_space<vmem>> -> memref<1x128x128xf32, #tpu.memory_space<vmem>>
      %dma_start3A_220 = tpu.memref_squeeze %dma_start3A_219 : memref<1x128x128xf32, #tpu.memory_space<vmem>> -> memref<128x128xf32, #tpu.memory_space<vmem>>
      tpu.enqueue_dma source(%dma_start3A_220 : memref<128x128xf32, #tpu.memory_space<vmem>>) target(%dma_start3A_216 : memref<128x128xf32, #tpu.memory_space<hbm>>) target_semaphore(%run_scoped3A_208 : memref<!tpu.dma_semaphore, #tpu.memory_space<semaphore_mem>>)
      %dma_wait3A_221 = arith.constant 0 : i32
      %dma_wait3A_222 = arith.constant 0 : i32
      %dma_wait3A_223 = tpu.memref_slice %arg11[%run_scoped3A_127, %dma_wait3A_221, %dma_wait3A_222] : memref<2x128x128xf32, #tpu.memory_space<vmem>> -> memref<1x128x128xf32, #tpu.memory_space<vmem>>
      %dma_wait3A_224 = tpu.memref_squeeze %dma_wait3A_223 : memref<1x128x128xf32, #tpu.memory_space<vmem>> -> memref<128x128xf32, #tpu.memory_space<vmem>>
      %dma_wait3A_225 = arith.constant 0 : i32
      %dma_wait3A_226 = tpu.memref_slice %arg7[%add3A_101, %dma_wait3A_225] : memref<16384x128xf32, #tpu.memory_space<hbm>> -> memref<128x128xf32, #tpu.memory_space<hbm>>
      %dma_wait3A_227 = arith.constant 0 : i32
      %dma_wait3A_228 = tpu.memref_slice %arg7[%add3A_101, %dma_wait3A_227] : memref<16384x128xf32, #tpu.memory_space<hbm>> -> memref<128x128xf32, #tpu.memory_space<hbm>>
      %dma_wait3A_229 = arith.constant 0 : i32
      %dma_wait3A_230 = arith.constant 0 : i32
      %dma_wait3A_231 = tpu.memref_slice %arg11[%run_scoped3A_127, %dma_wait3A_229, %dma_wait3A_230] : memref<2x128x128xf32, #tpu.memory_space<vmem>> -> memref<1x128x128xf32, #tpu.memory_space<vmem>>
      %dma_wait3A_232 = tpu.memref_squeeze %dma_wait3A_231 : memref<1x128x128xf32, #tpu.memory_space<vmem>> -> memref<128x128xf32, #tpu.memory_space<vmem>>
      tpu.wait_dma2 semaphore(%run_scoped3A_208 : memref<!tpu.dma_semaphore, #tpu.memory_space<semaphore_mem>>) src(%dma_wait3A_232 : memref<128x128xf32, #tpu.memory_space<vmem>>) dst(%dma_wait3A_228 : memref<128x128xf32, #tpu.memory_space<hbm>>)
      tpu.yield
    }) : () -> ()
    %dma_start3A_128 = arith.constant 3 : i32
    %dma_start3A_129 = arith.constant 1 : i32
    %dma_start3A_130 = arith.constant 0 : i32
    %dma_start3A_131 = arith.constant 0 : i32
    %dma_start3A_132 = tpu.memref_slice %arg10[%dma_start3A_129, %dma_start3A_130, %dma_start3A_131] : memref<2x128x128xf32, #tpu.memory_space<vmem>> -> memref<1x128x128xf32, #tpu.memory_space<vmem>>
    %dma_start3A_133 = tpu.memref_squeeze %dma_start3A_132 : memref<1x128x128xf32, #tpu.memory_space<vmem>> -> memref<128x128xf32, #tpu.memory_space<vmem>>
    %dma_start3A_134 = arith.constant 0 : i32
    %dma_start3A_135 = tpu.memref_slice %arg8[%dma_start3A_128, %dma_start3A_134] : memref<4x128xi32, #tpu.memory_space<vmem>> -> memref<1x128xi32, #tpu.memory_space<vmem>>
    %dma_start3A_136 = tpu.memref_squeeze %dma_start3A_135 : memref<1x128xi32, #tpu.memory_space<vmem>> -> memref<128xi32, #tpu.memory_space<vmem>>
    %dma_start3A_137 = arith.constant 0 : i32
    %dma_start3A_138 = arith.constant 0 : i32
    %dma_start3A_139 = tpu.memref_slice %arg4[%dma_start3A_137, %dma_start3A_138] : memref<1000000x128xf32, #tpu.memory_space<hbm>> -> memref<1000000x128xf32, #tpu.memory_space<hbm>>
    tpu.enqueue_indirect_dma source(%dma_start3A_139 : memref<1000000x128xf32, #tpu.memory_space<hbm>>) target(%dma_start3A_133 : memref<128x128xf32, #tpu.memory_space<vmem>>) offsets(%dma_start3A_136 : memref<128xi32, #tpu.memory_space<vmem>>) semaphore(%arg12 : memref<!tpu.dma_semaphore, #tpu.memory_space<semaphore_mem>>)
    %dma_start3A_140 = arith.constant 3 : i32
    %dma_start3A_141 = arith.constant 1 : i32
    %dma_start3A_142 = arith.constant 0 : i32
    %dma_start3A_143 = arith.constant 0 : i32
    %dma_start3A_144 = tpu.memref_slice %arg11[%dma_start3A_141, %dma_start3A_142, %dma_start3A_143] : memref<2x128x128xf32, #tpu.memory_space<vmem>> -> memref<1x128x128xf32, #tpu.memory_space<vmem>>
    %dma_start3A_145 = tpu.memref_squeeze %dma_start3A_144 : memref<1x128x128xf32, #tpu.memory_space<vmem>> -> memref<128x128xf32, #tpu.memory_space<vmem>>
    %dma_start3A_146 = arith.constant 0 : i32
    %dma_start3A_147 = tpu.memref_slice %arg9[%dma_start3A_140, %dma_start3A_146] : memref<4x128xi32, #tpu.memory_space<vmem>> -> memref<1x128xi32, #tpu.memory_space<vmem>>
    %dma_start3A_148 = tpu.memref_squeeze %dma_start3A_147 : memref<1x128xi32, #tpu.memory_space<vmem>> -> memref<128xi32, #tpu.memory_space<vmem>>
    %dma_start3A_149 = arith.constant 0 : i32
    %dma_start3A_150 = arith.constant 0 : i32
    %dma_start3A_151 = tpu.memref_slice %arg5[%dma_start3A_149, %dma_start3A_150] : memref<1000000x128xf32, #tpu.memory_space<hbm>> -> memref<1000000x128xf32, #tpu.memory_space<hbm>>
    tpu.enqueue_indirect_dma source(%dma_start3A_151 : memref<1000000x128xf32, #tpu.memory_space<hbm>>) target(%dma_start3A_145 : memref<128x128xf32, #tpu.memory_space<vmem>>) offsets(%dma_start3A_148 : memref<128xi32, #tpu.memory_space<vmem>>) semaphore(%arg12 : memref<!tpu.dma_semaphore, #tpu.memory_space<semaphore_mem>>)
    %add3A_152 = arith.constant 256 : i32
    %add3A_153 = arith.addi %mul3A_2, %add3A_152 : i32
    %dma_wait3A_154 = arith.constant 2 : i32
    %dma_wait3A_155 = arith.constant 0 : i32
    %dma_wait3A_156 = arith.constant 0 : i32
    %dma_wait3A_157 = arith.constant 0 : i32
    %dma_wait3A_158 = tpu.memref_slice %arg10[%dma_wait3A_155, %dma_wait3A_156, %dma_wait3A_157] : memref<2x128x128xf32, #tpu.memory_space<vmem>> -> memref<1x128x128xf32, #tpu.memory_space<vmem>>
    %dma_wait3A_159 = tpu.memref_squeeze %dma_wait3A_158 : memref<1x128x128xf32, #tpu.memory_space<vmem>> -> memref<128x128xf32, #tpu.memory_space<vmem>>
    %dma_wait3A_160 = arith.constant 0 : i32
    %dma_wait3A_161 = tpu.memref_slice %arg8[%dma_wait3A_154, %dma_wait3A_160] : memref<4x128xi32, #tpu.memory_space<vmem>> -> memref<1x128xi32, #tpu.memory_space<vmem>>
    %dma_wait3A_162 = tpu.memref_squeeze %dma_wait3A_161 : memref<1x128xi32, #tpu.memory_space<vmem>> -> memref<128xi32, #tpu.memory_space<vmem>>
    %dma_wait3A_163 = arith.constant 0 : i32
    %dma_wait3A_164 = arith.constant 0 : i32
    %dma_wait3A_165 = tpu.memref_slice %arg4[%dma_wait3A_163, %dma_wait3A_164] : memref<1000000x128xf32, #tpu.memory_space<hbm>> -> memref<1000000x128xf32, #tpu.memory_space<hbm>>
    tpu.wait_indirect_dma semaphore(%arg12 : memref<!tpu.dma_semaphore, #tpu.memory_space<semaphore_mem>>) src(%dma_wait3A_165 : memref<1000000x128xf32, #tpu.memory_space<hbm>>) dst(%dma_wait3A_159 : memref<128x128xf32, #tpu.memory_space<vmem>>)
    %run_scoped3A_166 = arith.constant 0 : i32
    "tpu.region"() ({
      %run_scoped3A_208 = tpu.sem_alloc : memref<!tpu.dma_semaphore, #tpu.memory_space<semaphore_mem>>
      %dma_start3A_209 = arith.constant 0 : i32
      %dma_start3A_210 = arith.constant 0 : i32
      %dma_start3A_211 = tpu.memref_slice %arg10[%run_scoped3A_166, %dma_start3A_209, %dma_start3A_210] : memref<2x128x128xf32, #tpu.memory_space<vmem>> -> memref<1x128x128xf32, #tpu.memory_space<vmem>>
      %dma_start3A_212 = tpu.memref_squeeze %dma_start3A_211 : memref<1x128x128xf32, #tpu.memory_space<vmem>> -> memref<128x128xf32, #tpu.memory_space<vmem>>
      %dma_start3A_213 = arith.constant 0 : i32
      %dma_start3A_214 = tpu.memref_slice %arg6[%add3A_153, %dma_start3A_213] : memref<16384x128xf32, #tpu.memory_space<hbm>> -> memref<128x128xf32, #tpu.memory_space<hbm>>
      %dma_start3A_215 = arith.constant 0 : i32
      %dma_start3A_216 = tpu.memref_slice %arg6[%add3A_153, %dma_start3A_215] : memref<16384x128xf32, #tpu.memory_space<hbm>> -> memref<128x128xf32, #tpu.memory_space<hbm>>
      %dma_start3A_217 = arith.constant 0 : i32
      %dma_start3A_218 = arith.constant 0 : i32
      %dma_start3A_219 = tpu.memref_slice %arg10[%run_scoped3A_166, %dma_start3A_217, %dma_start3A_218] : memref<2x128x128xf32, #tpu.memory_space<vmem>> -> memref<1x128x128xf32, #tpu.memory_space<vmem>>
      %dma_start3A_220 = tpu.memref_squeeze %dma_start3A_219 : memref<1x128x128xf32, #tpu.memory_space<vmem>> -> memref<128x128xf32, #tpu.memory_space<vmem>>
      tpu.enqueue_dma source(%dma_start3A_220 : memref<128x128xf32, #tpu.memory_space<vmem>>) target(%dma_start3A_216 : memref<128x128xf32, #tpu.memory_space<hbm>>) target_semaphore(%run_scoped3A_208 : memref<!tpu.dma_semaphore, #tpu.memory_space<semaphore_mem>>)
      %dma_wait3A_221 = arith.constant 0 : i32
      %dma_wait3A_222 = arith.constant 0 : i32
      %dma_wait3A_223 = tpu.memref_slice %arg10[%run_scoped3A_166, %dma_wait3A_221, %dma_wait3A_222] : memref<2x128x128xf32, #tpu.memory_space<vmem>> -> memref<1x128x128xf32, #tpu.memory_space<vmem>>
      %dma_wait3A_224 = tpu.memref_squeeze %dma_wait3A_223 : memref<1x128x128xf32, #tpu.memory_space<vmem>> -> memref<128x128xf32, #tpu.memory_space<vmem>>
      %dma_wait3A_225 = arith.constant 0 : i32
      %dma_wait3A_226 = tpu.memref_slice %arg6[%add3A_153, %dma_wait3A_225] : memref<16384x128xf32, #tpu.memory_space<hbm>> -> memref<128x128xf32, #tpu.memory_space<hbm>>
      %dma_wait3A_227 = arith.constant 0 : i32
      %dma_wait3A_228 = tpu.memref_slice %arg6[%add3A_153, %dma_wait3A_227] : memref<16384x128xf32, #tpu.memory_space<hbm>> -> memref<128x128xf32, #tpu.memory_space<hbm>>
      %dma_wait3A_229 = arith.constant 0 : i32
      %dma_wait3A_230 = arith.constant 0 : i32
      %dma_wait3A_231 = tpu.memref_slice %arg10[%run_scoped3A_166, %dma_wait3A_229, %dma_wait3A_230] : memref<2x128x128xf32, #tpu.memory_space<vmem>> -> memref<1x128x128xf32, #tpu.memory_space<vmem>>
      %dma_wait3A_232 = tpu.memref_squeeze %dma_wait3A_231 : memref<1x128x128xf32, #tpu.memory_space<vmem>> -> memref<128x128xf32, #tpu.memory_space<vmem>>
      tpu.wait_dma2 semaphore(%run_scoped3A_208 : memref<!tpu.dma_semaphore, #tpu.memory_space<semaphore_mem>>) src(%dma_wait3A_232 : memref<128x128xf32, #tpu.memory_space<vmem>>) dst(%dma_wait3A_228 : memref<128x128xf32, #tpu.memory_space<hbm>>)
      tpu.yield
    }) : () -> ()
    %dma_wait3A_167 = arith.constant 2 : i32
    %dma_wait3A_168 = arith.constant 0 : i32
    %dma_wait3A_169 = arith.constant 0 : i32
    %dma_wait3A_170 = arith.constant 0 : i32
    %dma_wait3A_171 = tpu.memref_slice %arg11[%dma_wait3A_168, %dma_wait3A_169, %dma_wait3A_170] : memref<2x128x128xf32, #tpu.memory_space<vmem>> -> memref<1x128x128xf32, #tpu.memory_space<vmem>>
    %dma_wait3A_172 = tpu.memref_squeeze %dma_wait3A_171 : memref<1x128x128xf32, #tpu.memory_space<vmem>> -> memref<128x128xf32, #tpu.memory_space<vmem>>
    %dma_wait3A_173 = arith.constant 0 : i32
    %dma_wait3A_174 = tpu.memref_slice %arg9[%dma_wait3A_167, %dma_wait3A_173] : memref<4x128xi32, #tpu.memory_space<vmem>> -> memref<1x128xi32, #tpu.memory_space<vmem>>
    %dma_wait3A_175 = tpu.memref_squeeze %dma_wait3A_174 : memref<1x128xi32, #tpu.memory_space<vmem>> -> memref<128xi32, #tpu.memory_space<vmem>>
    %dma_wait3A_176 = arith.constant 0 : i32
    %dma_wait3A_177 = arith.constant 0 : i32
    %dma_wait3A_178 = tpu.memref_slice %arg5[%dma_wait3A_176, %dma_wait3A_177] : memref<1000000x128xf32, #tpu.memory_space<hbm>> -> memref<1000000x128xf32, #tpu.memory_space<hbm>>
    tpu.wait_indirect_dma semaphore(%arg12 : memref<!tpu.dma_semaphore, #tpu.memory_space<semaphore_mem>>) src(%dma_wait3A_178 : memref<1000000x128xf32, #tpu.memory_space<hbm>>) dst(%dma_wait3A_172 : memref<128x128xf32, #tpu.memory_space<vmem>>)
    %run_scoped3A_179 = arith.constant 0 : i32
    "tpu.region"() ({
      %run_scoped3A_208 = tpu.sem_alloc : memref<!tpu.dma_semaphore, #tpu.memory_space<semaphore_mem>>
      %dma_start3A_209 = arith.constant 0 : i32
      %dma_start3A_210 = arith.constant 0 : i32
      %dma_start3A_211 = tpu.memref_slice %arg11[%run_scoped3A_179, %dma_start3A_209, %dma_start3A_210] : memref<2x128x128xf32, #tpu.memory_space<vmem>> -> memref<1x128x128xf32, #tpu.memory_space<vmem>>
      %dma_start3A_212 = tpu.memref_squeeze %dma_start3A_211 : memref<1x128x128xf32, #tpu.memory_space<vmem>> -> memref<128x128xf32, #tpu.memory_space<vmem>>
      %dma_start3A_213 = arith.constant 0 : i32
      %dma_start3A_214 = tpu.memref_slice %arg7[%add3A_153, %dma_start3A_213] : memref<16384x128xf32, #tpu.memory_space<hbm>> -> memref<128x128xf32, #tpu.memory_space<hbm>>
      %dma_start3A_215 = arith.constant 0 : i32
      %dma_start3A_216 = tpu.memref_slice %arg7[%add3A_153, %dma_start3A_215] : memref<16384x128xf32, #tpu.memory_space<hbm>> -> memref<128x128xf32, #tpu.memory_space<hbm>>
      %dma_start3A_217 = arith.constant 0 : i32
      %dma_start3A_218 = arith.constant 0 : i32
      %dma_start3A_219 = tpu.memref_slice %arg11[%run_scoped3A_179, %dma_start3A_217, %dma_start3A_218] : memref<2x128x128xf32, #tpu.memory_space<vmem>> -> memref<1x128x128xf32, #tpu.memory_space<vmem>>
      %dma_start3A_220 = tpu.memref_squeeze %dma_start3A_219 : memref<1x128x128xf32, #tpu.memory_space<vmem>> -> memref<128x128xf32, #tpu.memory_space<vmem>>
      tpu.enqueue_dma source(%dma_start3A_220 : memref<128x128xf32, #tpu.memory_space<vmem>>) target(%dma_start3A_216 : memref<128x128xf32, #tpu.memory_space<hbm>>) target_semaphore(%run_scoped3A_208 : memref<!tpu.dma_semaphore, #tpu.memory_space<semaphore_mem>>)
      %dma_wait3A_221 = arith.constant 0 : i32
      %dma_wait3A_222 = arith.constant 0 : i32
      %dma_wait3A_223 = tpu.memref_slice %arg11[%run_scoped3A_179, %dma_wait3A_221, %dma_wait3A_222] : memref<2x128x128xf32, #tpu.memory_space<vmem>> -> memref<1x128x128xf32, #tpu.memory_space<vmem>>
      %dma_wait3A_224 = tpu.memref_squeeze %dma_wait3A_223 : memref<1x128x128xf32, #tpu.memory_space<vmem>> -> memref<128x128xf32, #tpu.memory_space<vmem>>
      %dma_wait3A_225 = arith.constant 0 : i32
      %dma_wait3A_226 = tpu.memref_slice %arg7[%add3A_153, %dma_wait3A_225] : memref<16384x128xf32, #tpu.memory_space<hbm>> -> memref<128x128xf32, #tpu.memory_space<hbm>>
      %dma_wait3A_227 = arith.constant 0 : i32
      %dma_wait3A_228 = tpu.memref_slice %arg7[%add3A_153, %dma_wait3A_227] : memref<16384x128xf32, #tpu.memory_space<hbm>> -> memref<128x128xf32, #tpu.memory_space<hbm>>
      %dma_wait3A_229 = arith.constant 0 : i32
      %dma_wait3A_230 = arith.constant 0 : i32
      %dma_wait3A_231 = tpu.memref_slice %arg11[%run_scoped3A_179, %dma_wait3A_229, %dma_wait3A_230] : memref<2x128x128xf32, #tpu.memory_space<vmem>> -> memref<1x128x128xf32, #tpu.memory_space<vmem>>
      %dma_wait3A_232 = tpu.memref_squeeze %dma_wait3A_231 : memref<1x128x128xf32, #tpu.memory_space<vmem>> -> memref<128x128xf32, #tpu.memory_space<vmem>>
      tpu.wait_dma2 semaphore(%run_scoped3A_208 : memref<!tpu.dma_semaphore, #tpu.memory_space<semaphore_mem>>) src(%dma_wait3A_232 : memref<128x128xf32, #tpu.memory_space<vmem>>) dst(%dma_wait3A_228 : memref<128x128xf32, #tpu.memory_space<hbm>>)
      tpu.yield
    }) : () -> ()
    %add3A_180 = arith.constant 384 : i32
    %add3A_181 = arith.addi %mul3A_2, %add3A_180 : i32
    %dma_wait3A_182 = arith.constant 3 : i32
    %dma_wait3A_183 = arith.constant 1 : i32
    %dma_wait3A_184 = arith.constant 0 : i32
    %dma_wait3A_185 = arith.constant 0 : i32
    %dma_wait3A_186 = tpu.memref_slice %arg10[%dma_wait3A_183, %dma_wait3A_184, %dma_wait3A_185] : memref<2x128x128xf32, #tpu.memory_space<vmem>> -> memref<1x128x128xf32, #tpu.memory_space<vmem>>
    %dma_wait3A_187 = tpu.memref_squeeze %dma_wait3A_186 : memref<1x128x128xf32, #tpu.memory_space<vmem>> -> memref<128x128xf32, #tpu.memory_space<vmem>>
    %dma_wait3A_188 = arith.constant 0 : i32
    %dma_wait3A_189 = tpu.memref_slice %arg8[%dma_wait3A_182, %dma_wait3A_188] : memref<4x128xi32, #tpu.memory_space<vmem>> -> memref<1x128xi32, #tpu.memory_space<vmem>>
    %dma_wait3A_190 = tpu.memref_squeeze %dma_wait3A_189 : memref<1x128xi32, #tpu.memory_space<vmem>> -> memref<128xi32, #tpu.memory_space<vmem>>
    %dma_wait3A_191 = arith.constant 0 : i32
    %dma_wait3A_192 = arith.constant 0 : i32
    %dma_wait3A_193 = tpu.memref_slice %arg4[%dma_wait3A_191, %dma_wait3A_192] : memref<1000000x128xf32, #tpu.memory_space<hbm>> -> memref<1000000x128xf32, #tpu.memory_space<hbm>>
    tpu.wait_indirect_dma semaphore(%arg12 : memref<!tpu.dma_semaphore, #tpu.memory_space<semaphore_mem>>) src(%dma_wait3A_193 : memref<1000000x128xf32, #tpu.memory_space<hbm>>) dst(%dma_wait3A_187 : memref<128x128xf32, #tpu.memory_space<vmem>>)
    %run_scoped3A_194 = arith.constant 1 : i32
    "tpu.region"() ({
      %run_scoped3A_208 = tpu.sem_alloc : memref<!tpu.dma_semaphore, #tpu.memory_space<semaphore_mem>>
      %dma_start3A_209 = arith.constant 0 : i32
      %dma_start3A_210 = arith.constant 0 : i32
      %dma_start3A_211 = tpu.memref_slice %arg10[%run_scoped3A_194, %dma_start3A_209, %dma_start3A_210] : memref<2x128x128xf32, #tpu.memory_space<vmem>> -> memref<1x128x128xf32, #tpu.memory_space<vmem>>
      %dma_start3A_212 = tpu.memref_squeeze %dma_start3A_211 : memref<1x128x128xf32, #tpu.memory_space<vmem>> -> memref<128x128xf32, #tpu.memory_space<vmem>>
      %dma_start3A_213 = arith.constant 0 : i32
      %dma_start3A_214 = tpu.memref_slice %arg6[%add3A_181, %dma_start3A_213] : memref<16384x128xf32, #tpu.memory_space<hbm>> -> memref<128x128xf32, #tpu.memory_space<hbm>>
      %dma_start3A_215 = arith.constant 0 : i32
      %dma_start3A_216 = tpu.memref_slice %arg6[%add3A_181, %dma_start3A_215] : memref<16384x128xf32, #tpu.memory_space<hbm>> -> memref<128x128xf32, #tpu.memory_space<hbm>>
      %dma_start3A_217 = arith.constant 0 : i32
      %dma_start3A_218 = arith.constant 0 : i32
      %dma_start3A_219 = tpu.memref_slice %arg10[%run_scoped3A_194, %dma_start3A_217, %dma_start3A_218] : memref<2x128x128xf32, #tpu.memory_space<vmem>> -> memref<1x128x128xf32, #tpu.memory_space<vmem>>
      %dma_start3A_220 = tpu.memref_squeeze %dma_start3A_219 : memref<1x128x128xf32, #tpu.memory_space<vmem>> -> memref<128x128xf32, #tpu.memory_space<vmem>>
      tpu.enqueue_dma source(%dma_start3A_220 : memref<128x128xf32, #tpu.memory_space<vmem>>) target(%dma_start3A_216 : memref<128x128xf32, #tpu.memory_space<hbm>>) target_semaphore(%run_scoped3A_208 : memref<!tpu.dma_semaphore, #tpu.memory_space<semaphore_mem>>)
      %dma_wait3A_221 = arith.constant 0 : i32
      %dma_wait3A_222 = arith.constant 0 : i32
      %dma_wait3A_223 = tpu.memref_slice %arg10[%run_scoped3A_194, %dma_wait3A_221, %dma_wait3A_222] : memref<2x128x128xf32, #tpu.memory_space<vmem>> -> memref<1x128x128xf32, #tpu.memory_space<vmem>>
      %dma_wait3A_224 = tpu.memref_squeeze %dma_wait3A_223 : memref<1x128x128xf32, #tpu.memory_space<vmem>> -> memref<128x128xf32, #tpu.memory_space<vmem>>
      %dma_wait3A_225 = arith.constant 0 : i32
      %dma_wait3A_226 = tpu.memref_slice %arg6[%add3A_181, %dma_wait3A_225] : memref<16384x128xf32, #tpu.memory_space<hbm>> -> memref<128x128xf32, #tpu.memory_space<hbm>>
      %dma_wait3A_227 = arith.constant 0 : i32
      %dma_wait3A_228 = tpu.memref_slice %arg6[%add3A_181, %dma_wait3A_227] : memref<16384x128xf32, #tpu.memory_space<hbm>> -> memref<128x128xf32, #tpu.memory_space<hbm>>
      %dma_wait3A_229 = arith.constant 0 : i32
      %dma_wait3A_230 = arith.constant 0 : i32
      %dma_wait3A_231 = tpu.memref_slice %arg10[%run_scoped3A_194, %dma_wait3A_229, %dma_wait3A_230] : memref<2x128x128xf32, #tpu.memory_space<vmem>> -> memref<1x128x128xf32, #tpu.memory_space<vmem>>
      %dma_wait3A_232 = tpu.memref_squeeze %dma_wait3A_231 : memref<1x128x128xf32, #tpu.memory_space<vmem>> -> memref<128x128xf32, #tpu.memory_space<vmem>>
      tpu.wait_dma2 semaphore(%run_scoped3A_208 : memref<!tpu.dma_semaphore, #tpu.memory_space<semaphore_mem>>) src(%dma_wait3A_232 : memref<128x128xf32, #tpu.memory_space<vmem>>) dst(%dma_wait3A_228 : memref<128x128xf32, #tpu.memory_space<hbm>>)
      tpu.yield
    }) : () -> ()
    %dma_wait3A_195 = arith.constant 3 : i32
    %dma_wait3A_196 = arith.constant 1 : i32
    %dma_wait3A_197 = arith.constant 0 : i32
    %dma_wait3A_198 = arith.constant 0 : i32
    %dma_wait3A_199 = tpu.memref_slice %arg11[%dma_wait3A_196, %dma_wait3A_197, %dma_wait3A_198] : memref<2x128x128xf32, #tpu.memory_space<vmem>> -> memref<1x128x128xf32, #tpu.memory_space<vmem>>
    %dma_wait3A_200 = tpu.memref_squeeze %dma_wait3A_199 : memref<1x128x128xf32, #tpu.memory_space<vmem>> -> memref<128x128xf32, #tpu.memory_space<vmem>>
    %dma_wait3A_201 = arith.constant 0 : i32
    %dma_wait3A_202 = tpu.memref_slice %arg9[%dma_wait3A_195, %dma_wait3A_201] : memref<4x128xi32, #tpu.memory_space<vmem>> -> memref<1x128xi32, #tpu.memory_space<vmem>>
    %dma_wait3A_203 = tpu.memref_squeeze %dma_wait3A_202 : memref<1x128xi32, #tpu.memory_space<vmem>> -> memref<128xi32, #tpu.memory_space<vmem>>
    %dma_wait3A_204 = arith.constant 0 : i32
    %dma_wait3A_205 = arith.constant 0 : i32
    %dma_wait3A_206 = tpu.memref_slice %arg5[%dma_wait3A_204, %dma_wait3A_205] : memref<1000000x128xf32, #tpu.memory_space<hbm>> -> memref<1000000x128xf32, #tpu.memory_space<hbm>>
    tpu.wait_indirect_dma semaphore(%arg12 : memref<!tpu.dma_semaphore, #tpu.memory_space<semaphore_mem>>) src(%dma_wait3A_206 : memref<1000000x128xf32, #tpu.memory_space<hbm>>) dst(%dma_wait3A_200 : memref<128x128xf32, #tpu.memory_space<vmem>>)
    %run_scoped3A_207 = arith.constant 1 : i32
    "tpu.region"() ({
      %run_scoped3A_208 = tpu.sem_alloc : memref<!tpu.dma_semaphore, #tpu.memory_space<semaphore_mem>>
      %dma_start3A_209 = arith.constant 0 : i32
      %dma_start3A_210 = arith.constant 0 : i32
      %dma_start3A_211 = tpu.memref_slice %arg11[%run_scoped3A_207, %dma_start3A_209, %dma_start3A_210] : memref<2x128x128xf32, #tpu.memory_space<vmem>> -> memref<1x128x128xf32, #tpu.memory_space<vmem>>
      %dma_start3A_212 = tpu.memref_squeeze %dma_start3A_211 : memref<1x128x128xf32, #tpu.memory_space<vmem>> -> memref<128x128xf32, #tpu.memory_space<vmem>>
      %dma_start3A_213 = arith.constant 0 : i32
      %dma_start3A_214 = tpu.memref_slice %arg7[%add3A_181, %dma_start3A_213] : memref<16384x128xf32, #tpu.memory_space<hbm>> -> memref<128x128xf32, #tpu.memory_space<hbm>>
      %dma_start3A_215 = arith.constant 0 : i32
      %dma_start3A_216 = tpu.memref_slice %arg7[%add3A_181, %dma_start3A_215] : memref<16384x128xf32, #tpu.memory_space<hbm>> -> memref<128x128xf32, #tpu.memory_space<hbm>>
      %dma_start3A_217 = arith.constant 0 : i32
      %dma_start3A_218 = arith.constant 0 : i32
      %dma_start3A_219 = tpu.memref_slice %arg11[%run_scoped3A_207, %dma_start3A_217, %dma_start3A_218] : memref<2x128x128xf32, #tpu.memory_space<vmem>> -> memref<1x128x128xf32, #tpu.memory_space<vmem>>
      %dma_start3A_220 = tpu.memref_squeeze %dma_start3A_219 : memref<1x128x128xf32, #tpu.memory_space<vmem>> -> memref<128x128xf32, #tpu.memory_space<vmem>>
      tpu.enqueue_dma source(%dma_start3A_220 : memref<128x128xf32, #tpu.memory_space<vmem>>) target(%dma_start3A_216 : memref<128x128xf32, #tpu.memory_space<hbm>>) target_semaphore(%run_scoped3A_208 : memref<!tpu.dma_semaphore, #tpu.memory_space<semaphore_mem>>)
      %dma_wait3A_221 = arith.constant 0 : i32
      %dma_wait3A_222 = arith.constant 0 : i32
      %dma_wait3A_223 = tpu.memref_slice %arg11[%run_scoped3A_207, %dma_wait3A_221, %dma_wait3A_222] : memref<2x128x128xf32, #tpu.memory_space<vmem>> -> memref<1x128x128xf32, #tpu.memory_space<vmem>>
      %dma_wait3A_224 = tpu.memref_squeeze %dma_wait3A_223 : memref<1x128x128xf32, #tpu.memory_space<vmem>> -> memref<128x128xf32, #tpu.memory_space<vmem>>
      %dma_wait3A_225 = arith.constant 0 : i32
      %dma_wait3A_226 = tpu.memref_slice %arg7[%add3A_181, %dma_wait3A_225] : memref<16384x128xf32, #tpu.memory_space<hbm>> -> memref<128x128xf32, #tpu.memory_space<hbm>>
      %dma_wait3A_227 = arith.constant 0 : i32
      %dma_wait3A_228 = tpu.memref_slice %arg7[%add3A_181, %dma_wait3A_227] : memref<16384x128xf32, #tpu.memory_space<hbm>> -> memref<128x128xf32, #tpu.memory_space<hbm>>
      %dma_wait3A_229 = arith.constant 0 : i32
      %dma_wait3A_230 = arith.constant 0 : i32
      %dma_wait3A_231 = tpu.memref_slice %arg11[%run_scoped3A_207, %dma_wait3A_229, %dma_wait3A_230] : memref<2x128x128xf32, #tpu.memory_space<vmem>> -> memref<1x128x128xf32, #tpu.memory_space<vmem>>
      %dma_wait3A_232 = tpu.memref_squeeze %dma_wait3A_231 : memref<1x128x128xf32, #tpu.memory_space<vmem>> -> memref<128x128xf32, #tpu.memory_space<vmem>>
      tpu.wait_dma2 semaphore(%run_scoped3A_208 : memref<!tpu.dma_semaphore, #tpu.memory_space<semaphore_mem>>) src(%dma_wait3A_232 : memref<128x128xf32, #tpu.memory_space<vmem>>) dst(%dma_wait3A_228 : memref<128x128xf32, #tpu.memory_space<hbm>>)
      tpu.yield
    }) : () -> ()
    return
  }
}

#map = affine_map<(d0, d1) -> (0, 0, 0)>
#map1 = affine_map<(d0, d1) -> (0, 0)>
module attributes {stable_mosaic.version = 14 : i64} {
  func.func @_sc_gmf(%arg0: i32, %arg1: i32, %arg2: memref<32x4x128xi32, #tpu.memory_space<hbm>>, %arg3: memref<32x4x128xi32, #tpu.memory_space<hbm>>, %arg4: memref<251904x128xf32, #tpu.memory_space<hbm>>, %arg5: memref<251904x128xf32, #tpu.memory_space<hbm>>, %arg6: memref<16384x128xf32, #tpu.memory_space<hbm>>, %arg7: memref<16384x128xf32, #tpu.memory_space<hbm>>, %arg8: memref<4x128xi32, #tpu.memory_space<vmem>>, %arg9: memref<4x128xi32, #tpu.memory_space<vmem>>, %arg10: memref<2x128x128xf32, #tpu.memory_space<vmem>>, %arg11: memref<2x128x128xf32, #tpu.memory_space<vmem>>, %arg12: memref<!tpu.dma_semaphore, #tpu.memory_space<semaphore_mem>>) attributes {dimension_semantics = [#tpu.dimension_semantics<core_parallel>, #tpu.dimension_semantics<subcore_parallel>], iteration_bounds = array<i64: 2, 16>, scalar_prefetch = 0 : i64, scratch_operands = 5 : i64, tpu.core_type = #tpu.core_type<sc_vector_subcore>, window_params = [{transform_indices = #map}, {transform_indices = #map}, {transform_indices = #map1}, {transform_indices = #map1}, {transform_indices = #map1}, {transform_indices = #map1}]} {
    %mul3A = arith.constant 2 : i32
    %mul3A_0 = arith.muli %arg1, %mul3A : i32
    %add3A = arith.addi %mul3A_0, %arg0 : i32
    %mul3A_1 = arith.constant 512 : i32
    %mul3A_2 = arith.muli %add3A, %mul3A_1 : i32
    "tpu.region"() ({
      %run_scoped3A_208 = tpu.sem_alloc : memref<!tpu.dma_semaphore, #tpu.memory_space<semaphore_mem>>
      %dma_start3A_209 = arith.constant 0 : i32
      %dma_start3A_210 = arith.constant 0 : i32
      %dma_start3A_211 = tpu.memref_slice %arg2[%add3A, %dma_start3A_209, %dma_start3A_210] : memref<32x4x128xi32, #tpu.memory_space<hbm>> -> memref<1x4x128xi32, #tpu.memory_space<hbm>>
      %dma_start3A_212 = tpu.memref_squeeze %dma_start3A_211 : memref<1x4x128xi32, #tpu.memory_space<hbm>> -> memref<4x128xi32, #tpu.memory_space<hbm>>
      %dma_start3A_213 = arith.constant 0 : i32
      %dma_start3A_214 = arith.constant 0 : i32
      %dma_start3A_215 = tpu.memref_slice %arg2[%add3A, %dma_start3A_213, %dma_start3A_214] : memref<32x4x128xi32, #tpu.memory_space<hbm>> -> memref<1x4x128xi32, #tpu.memory_space<hbm>>
      %dma_start3A_216 = tpu.memref_squeeze %dma_start3A_215 : memref<1x4x128xi32, #tpu.memory_space<hbm>> -> memref<4x128xi32, #tpu.memory_space<hbm>>
      tpu.enqueue_dma source(%dma_start3A_216 : memref<4x128xi32, #tpu.memory_space<hbm>>) target(%arg8 : memref<4x128xi32, #tpu.memory_space<vmem>>) target_semaphore(%run_scoped3A_208 : memref<!tpu.dma_semaphore, #tpu.memory_space<semaphore_mem>>)
      %dma_wait3A_217 = arith.constant 0 : i32
      %dma_wait3A_218 = arith.constant 0 : i32
      %dma_wait3A_219 = tpu.memref_slice %arg2[%add3A, %dma_wait3A_217, %dma_wait3A_218] : memref<32x4x128xi32, #tpu.memory_space<hbm>> -> memref<1x4x128xi32, #tpu.memory_space<hbm>>
      %dma_wait3A_220 = tpu.memref_squeeze %dma_wait3A_219 : memref<1x4x128xi32, #tpu.memory_space<hbm>> -> memref<4x128xi32, #tpu.memory_space<hbm>>
      %dma_wait3A_221 = arith.constant 0 : i32
      %dma_wait3A_222 = arith.constant 0 : i32
      %dma_wait3A_223 = tpu.memref_slice %arg2[%add3A, %dma_wait3A_221, %dma_wait3A_222] : memref<32x4x128xi32, #tpu.memory_space<hbm>> -> memref<1x4x128xi32, #tpu.memory_space<hbm>>
      %dma_wait3A_224 = tpu.memref_squeeze %dma_wait3A_223 : memref<1x4x128xi32, #tpu.memory_space<hbm>> -> memref<4x128xi32, #tpu.memory_space<hbm>>
      tpu.wait_dma2 semaphore(%run_scoped3A_208 : memref<!tpu.dma_semaphore, #tpu.memory_space<semaphore_mem>>) src(%dma_wait3A_224 : memref<4x128xi32, #tpu.memory_space<hbm>>) dst(%arg8 : memref<4x128xi32, #tpu.memory_space<vmem>>)
      tpu.yield
    }) : () -> ()
    "tpu.region"() ({
      %run_scoped3A_208 = tpu.sem_alloc : memref<!tpu.dma_semaphore, #tpu.memory_space<semaphore_mem>>
      %dma_start3A_209 = arith.constant 0 : i32
      %dma_start3A_210 = arith.constant 0 : i32
      %dma_start3A_211 = tpu.memref_slice %arg3[%add3A, %dma_start3A_209, %dma_start3A_210] : memref<32x4x128xi32, #tpu.memory_space<hbm>> -> memref<1x4x128xi32, #tpu.memory_space<hbm>>
      %dma_start3A_212 = tpu.memref_squeeze %dma_start3A_211 : memref<1x4x128xi32, #tpu.memory_space<hbm>> -> memref<4x128xi32, #tpu.memory_space<hbm>>
      %dma_start3A_213 = arith.constant 0 : i32
      %dma_start3A_214 = arith.constant 0 : i32
      %dma_start3A_215 = tpu.memref_slice %arg3[%add3A, %dma_start3A_213, %dma_start3A_214] : memref<32x4x128xi32, #tpu.memory_space<hbm>> -> memref<1x4x128xi32, #tpu.memory_space<hbm>>
      %dma_start3A_216 = tpu.memref_squeeze %dma_start3A_215 : memref<1x4x128xi32, #tpu.memory_space<hbm>> -> memref<4x128xi32, #tpu.memory_space<hbm>>
      tpu.enqueue_dma source(%dma_start3A_216 : memref<4x128xi32, #tpu.memory_space<hbm>>) target(%arg9 : memref<4x128xi32, #tpu.memory_space<vmem>>) target_semaphore(%run_scoped3A_208 : memref<!tpu.dma_semaphore, #tpu.memory_space<semaphore_mem>>)
      %dma_wait3A_217 = arith.constant 0 : i32
      %dma_wait3A_218 = arith.constant 0 : i32
      %dma_wait3A_219 = tpu.memref_slice %arg3[%add3A, %dma_wait3A_217, %dma_wait3A_218] : memref<32x4x128xi32, #tpu.memory_space<hbm>> -> memref<1x4x128xi32, #tpu.memory_space<hbm>>
      %dma_wait3A_220 = tpu.memref_squeeze %dma_wait3A_219 : memref<1x4x128xi32, #tpu.memory_space<hbm>> -> memref<4x128xi32, #tpu.memory_space<hbm>>
      %dma_wait3A_221 = arith.constant 0 : i32
      %dma_wait3A_222 = arith.constant 0 : i32
      %dma_wait3A_223 = tpu.memref_slice %arg3[%add3A, %dma_wait3A_221, %dma_wait3A_222] : memref<32x4x128xi32, #tpu.memory_space<hbm>> -> memref<1x4x128xi32, #tpu.memory_space<hbm>>
      %dma_wait3A_224 = tpu.memref_squeeze %dma_wait3A_223 : memref<1x4x128xi32, #tpu.memory_space<hbm>> -> memref<4x128xi32, #tpu.memory_space<hbm>>
      tpu.wait_dma2 semaphore(%run_scoped3A_208 : memref<!tpu.dma_semaphore, #tpu.memory_space<semaphore_mem>>) src(%dma_wait3A_224 : memref<4x128xi32, #tpu.memory_space<hbm>>) dst(%arg9 : memref<4x128xi32, #tpu.memory_space<vmem>>)
      tpu.yield
    }) : () -> ()
    %dma_start3A = arith.constant 0 : i32
    %dma_start3A_3 = arith.constant 0 : i32
    %dma_start3A_4 = arith.constant 0 : i32
    %dma_start3A_5 = arith.constant 0 : i32
    %dma_start3A_6 = tpu.memref_slice %arg10[%dma_start3A_3, %dma_start3A_4, %dma_start3A_5] : memref<2x128x128xf32, #tpu.memory_space<vmem>> -> memref<1x128x128xf32, #tpu.memory_space<vmem>>
    %dma_start3A_7 = tpu.memref_squeeze %dma_start3A_6 : memref<1x128x128xf32, #tpu.memory_space<vmem>> -> memref<128x128xf32, #tpu.memory_space<vmem>>
    %dma_start3A_8 = arith.constant 0 : i32
    %dma_start3A_9 = tpu.memref_slice %arg8[%dma_start3A, %dma_start3A_8] : memref<4x128xi32, #tpu.memory_space<vmem>> -> memref<1x128xi32, #tpu.memory_space<vmem>>
    %dma_start3A_10 = tpu.memref_squeeze %dma_start3A_9 : memref<1x128xi32, #tpu.memory_space<vmem>> -> memref<128xi32, #tpu.memory_space<vmem>>
    %dma_start3A_11 = arith.constant 0 : i32
    %dma_start3A_12 = arith.constant 0 : i32
    %dma_start3A_13 = tpu.memref_slice %arg4[%dma_start3A_11, %dma_start3A_12] : memref<251904x128xf32, #tpu.memory_space<hbm>> -> memref<251904x128xf32, #tpu.memory_space<hbm>>
    tpu.enqueue_indirect_dma source(%dma_start3A_13 : memref<251904x128xf32, #tpu.memory_space<hbm>>) target(%dma_start3A_7 : memref<128x128xf32, #tpu.memory_space<vmem>>) offsets(%dma_start3A_10 : memref<128xi32, #tpu.memory_space<vmem>>) semaphore(%arg12 : memref<!tpu.dma_semaphore, #tpu.memory_space<semaphore_mem>>)
    %dma_start3A_14 = arith.constant 0 : i32
    %dma_start3A_15 = arith.constant 0 : i32
    %dma_start3A_16 = arith.constant 0 : i32
    %dma_start3A_17 = arith.constant 0 : i32
    %dma_start3A_18 = tpu.memref_slice %arg11[%dma_start3A_15, %dma_start3A_16, %dma_start3A_17] : memref<2x128x128xf32, #tpu.memory_space<vmem>> -> memref<1x128x128xf32, #tpu.memory_space<vmem>>
    %dma_start3A_19 = tpu.memref_squeeze %dma_start3A_18 : memref<1x128x128xf32, #tpu.memory_space<vmem>> -> memref<128x128xf32, #tpu.memory_space<vmem>>
    %dma_start3A_20 = arith.constant 0 : i32
    %dma_start3A_21 = tpu.memref_slice %arg9[%dma_start3A_14, %dma_start3A_20] : memref<4x128xi32, #tpu.memory_space<vmem>> -> memref<1x128xi32, #tpu.memory_space<vmem>>
    %dma_start3A_22 = tpu.memref_squeeze %dma_start3A_21 : memref<1x128xi32, #tpu.memory_space<vmem>> -> memref<128xi32, #tpu.memory_space<vmem>>
    %dma_start3A_23 = arith.constant 0 : i32
    %dma_start3A_24 = arith.constant 0 : i32
    %dma_start3A_25 = tpu.memref_slice %arg5[%dma_start3A_23, %dma_start3A_24] : memref<251904x128xf32, #tpu.memory_space<hbm>> -> memref<251904x128xf32, #tpu.memory_space<hbm>>
    tpu.enqueue_indirect_dma source(%dma_start3A_25 : memref<251904x128xf32, #tpu.memory_space<hbm>>) target(%dma_start3A_19 : memref<128x128xf32, #tpu.memory_space<vmem>>) offsets(%dma_start3A_22 : memref<128xi32, #tpu.memory_space<vmem>>) semaphore(%arg12 : memref<!tpu.dma_semaphore, #tpu.memory_space<semaphore_mem>>)
    %dma_start3A_26 = arith.constant 1 : i32
    %dma_start3A_27 = arith.constant 1 : i32
    %dma_start3A_28 = arith.constant 0 : i32
    %dma_start3A_29 = arith.constant 0 : i32
    %dma_start3A_30 = tpu.memref_slice %arg10[%dma_start3A_27, %dma_start3A_28, %dma_start3A_29] : memref<2x128x128xf32, #tpu.memory_space<vmem>> -> memref<1x128x128xf32, #tpu.memory_space<vmem>>
    %dma_start3A_31 = tpu.memref_squeeze %dma_start3A_30 : memref<1x128x128xf32, #tpu.memory_space<vmem>> -> memref<128x128xf32, #tpu.memory_space<vmem>>
    %dma_start3A_32 = arith.constant 0 : i32
    %dma_start3A_33 = tpu.memref_slice %arg8[%dma_start3A_26, %dma_start3A_32] : memref<4x128xi32, #tpu.memory_space<vmem>> -> memref<1x128xi32, #tpu.memory_space<vmem>>
    %dma_start3A_34 = tpu.memref_squeeze %dma_start3A_33 : memref<1x128xi32, #tpu.memory_space<vmem>> -> memref<128xi32, #tpu.memory_space<vmem>>
    %dma_start3A_35 = arith.constant 0 : i32
    %dma_start3A_36 = arith.constant 0 : i32
    %dma_start3A_37 = tpu.memref_slice %arg4[%dma_start3A_35, %dma_start3A_36] : memref<251904x128xf32, #tpu.memory_space<hbm>> -> memref<251904x128xf32, #tpu.memory_space<hbm>>
    tpu.enqueue_indirect_dma source(%dma_start3A_37 : memref<251904x128xf32, #tpu.memory_space<hbm>>) target(%dma_start3A_31 : memref<128x128xf32, #tpu.memory_space<vmem>>) offsets(%dma_start3A_34 : memref<128xi32, #tpu.memory_space<vmem>>) semaphore(%arg12 : memref<!tpu.dma_semaphore, #tpu.memory_space<semaphore_mem>>)
    %dma_start3A_38 = arith.constant 1 : i32
    %dma_start3A_39 = arith.constant 1 : i32
    %dma_start3A_40 = arith.constant 0 : i32
    %dma_start3A_41 = arith.constant 0 : i32
    %dma_start3A_42 = tpu.memref_slice %arg11[%dma_start3A_39, %dma_start3A_40, %dma_start3A_41] : memref<2x128x128xf32, #tpu.memory_space<vmem>> -> memref<1x128x128xf32, #tpu.memory_space<vmem>>
    %dma_start3A_43 = tpu.memref_squeeze %dma_start3A_42 : memref<1x128x128xf32, #tpu.memory_space<vmem>> -> memref<128x128xf32, #tpu.memory_space<vmem>>
    %dma_start3A_44 = arith.constant 0 : i32
    %dma_start3A_45 = tpu.memref_slice %arg9[%dma_start3A_38, %dma_start3A_44] : memref<4x128xi32, #tpu.memory_space<vmem>> -> memref<1x128xi32, #tpu.memory_space<vmem>>
    %dma_start3A_46 = tpu.memref_squeeze %dma_start3A_45 : memref<1x128xi32, #tpu.memory_space<vmem>> -> memref<128xi32, #tpu.memory_space<vmem>>
    %dma_start3A_47 = arith.constant 0 : i32
    %dma_start3A_48 = arith.constant 0 : i32
    %dma_start3A_49 = tpu.memref_slice %arg5[%dma_start3A_47, %dma_start3A_48] : memref<251904x128xf32, #tpu.memory_space<hbm>> -> memref<251904x128xf32, #tpu.memory_space<hbm>>
    tpu.enqueue_indirect_dma source(%dma_start3A_49 : memref<251904x128xf32, #tpu.memory_space<hbm>>) target(%dma_start3A_43 : memref<128x128xf32, #tpu.memory_space<vmem>>) offsets(%dma_start3A_46 : memref<128xi32, #tpu.memory_space<vmem>>) semaphore(%arg12 : memref<!tpu.dma_semaphore, #tpu.memory_space<semaphore_mem>>)
    %add3A_50 = arith.constant 0 : i32
    %add3A_51 = arith.addi %mul3A_2, %add3A_50 : i32
    %dma_wait3A = arith.constant 0 : i32
    %dma_wait3A_52 = arith.constant 0 : i32
    %dma_wait3A_53 = arith.constant 0 : i32
    %dma_wait3A_54 = arith.constant 0 : i32
    %dma_wait3A_55 = tpu.memref_slice %arg10[%dma_wait3A_52, %dma_wait3A_53, %dma_wait3A_54] : memref<2x128x128xf32, #tpu.memory_space<vmem>> -> memref<1x128x128xf32, #tpu.memory_space<vmem>>
    %dma_wait3A_56 = tpu.memref_squeeze %dma_wait3A_55 : memref<1x128x128xf32, #tpu.memory_space<vmem>> -> memref<128x128xf32, #tpu.memory_space<vmem>>
    %dma_wait3A_57 = arith.constant 0 : i32
    %dma_wait3A_58 = tpu.memref_slice %arg8[%dma_wait3A, %dma_wait3A_57] : memref<4x128xi32, #tpu.memory_space<vmem>> -> memref<1x128xi32, #tpu.memory_space<vmem>>
    %dma_wait3A_59 = tpu.memref_squeeze %dma_wait3A_58 : memref<1x128xi32, #tpu.memory_space<vmem>> -> memref<128xi32, #tpu.memory_space<vmem>>
    %dma_wait3A_60 = arith.constant 0 : i32
    %dma_wait3A_61 = arith.constant 0 : i32
    %dma_wait3A_62 = tpu.memref_slice %arg4[%dma_wait3A_60, %dma_wait3A_61] : memref<251904x128xf32, #tpu.memory_space<hbm>> -> memref<251904x128xf32, #tpu.memory_space<hbm>>
    tpu.wait_indirect_dma semaphore(%arg12 : memref<!tpu.dma_semaphore, #tpu.memory_space<semaphore_mem>>) src(%dma_wait3A_62 : memref<251904x128xf32, #tpu.memory_space<hbm>>) dst(%dma_wait3A_56 : memref<128x128xf32, #tpu.memory_space<vmem>>)
    %run_scoped3A = arith.constant 0 : i32
    "tpu.region"() ({
      %run_scoped3A_208 = tpu.sem_alloc : memref<!tpu.dma_semaphore, #tpu.memory_space<semaphore_mem>>
      %dma_start3A_209 = arith.constant 0 : i32
      %dma_start3A_210 = arith.constant 0 : i32
      %dma_start3A_211 = tpu.memref_slice %arg10[%run_scoped3A, %dma_start3A_209, %dma_start3A_210] : memref<2x128x128xf32, #tpu.memory_space<vmem>> -> memref<1x128x128xf32, #tpu.memory_space<vmem>>
      %dma_start3A_212 = tpu.memref_squeeze %dma_start3A_211 : memref<1x128x128xf32, #tpu.memory_space<vmem>> -> memref<128x128xf32, #tpu.memory_space<vmem>>
      %dma_start3A_213 = arith.constant 0 : i32
      %dma_start3A_214 = tpu.memref_slice %arg6[%add3A_51, %dma_start3A_213] : memref<16384x128xf32, #tpu.memory_space<hbm>> -> memref<128x128xf32, #tpu.memory_space<hbm>>
      %dma_start3A_215 = arith.constant 0 : i32
      %dma_start3A_216 = tpu.memref_slice %arg6[%add3A_51, %dma_start3A_215] : memref<16384x128xf32, #tpu.memory_space<hbm>> -> memref<128x128xf32, #tpu.memory_space<hbm>>
      %dma_start3A_217 = arith.constant 0 : i32
      %dma_start3A_218 = arith.constant 0 : i32
      %dma_start3A_219 = tpu.memref_slice %arg10[%run_scoped3A, %dma_start3A_217, %dma_start3A_218] : memref<2x128x128xf32, #tpu.memory_space<vmem>> -> memref<1x128x128xf32, #tpu.memory_space<vmem>>
      %dma_start3A_220 = tpu.memref_squeeze %dma_start3A_219 : memref<1x128x128xf32, #tpu.memory_space<vmem>> -> memref<128x128xf32, #tpu.memory_space<vmem>>
      tpu.enqueue_dma source(%dma_start3A_220 : memref<128x128xf32, #tpu.memory_space<vmem>>) target(%dma_start3A_216 : memref<128x128xf32, #tpu.memory_space<hbm>>) target_semaphore(%run_scoped3A_208 : memref<!tpu.dma_semaphore, #tpu.memory_space<semaphore_mem>>)
      %dma_wait3A_221 = arith.constant 0 : i32
      %dma_wait3A_222 = arith.constant 0 : i32
      %dma_wait3A_223 = tpu.memref_slice %arg10[%run_scoped3A, %dma_wait3A_221, %dma_wait3A_222] : memref<2x128x128xf32, #tpu.memory_space<vmem>> -> memref<1x128x128xf32, #tpu.memory_space<vmem>>
      %dma_wait3A_224 = tpu.memref_squeeze %dma_wait3A_223 : memref<1x128x128xf32, #tpu.memory_space<vmem>> -> memref<128x128xf32, #tpu.memory_space<vmem>>
      %dma_wait3A_225 = arith.constant 0 : i32
      %dma_wait3A_226 = tpu.memref_slice %arg6[%add3A_51, %dma_wait3A_225] : memref<16384x128xf32, #tpu.memory_space<hbm>> -> memref<128x128xf32, #tpu.memory_space<hbm>>
      %dma_wait3A_227 = arith.constant 0 : i32
      %dma_wait3A_228 = tpu.memref_slice %arg6[%add3A_51, %dma_wait3A_227] : memref<16384x128xf32, #tpu.memory_space<hbm>> -> memref<128x128xf32, #tpu.memory_space<hbm>>
      %dma_wait3A_229 = arith.constant 0 : i32
      %dma_wait3A_230 = arith.constant 0 : i32
      %dma_wait3A_231 = tpu.memref_slice %arg10[%run_scoped3A, %dma_wait3A_229, %dma_wait3A_230] : memref<2x128x128xf32, #tpu.memory_space<vmem>> -> memref<1x128x128xf32, #tpu.memory_space<vmem>>
      %dma_wait3A_232 = tpu.memref_squeeze %dma_wait3A_231 : memref<1x128x128xf32, #tpu.memory_space<vmem>> -> memref<128x128xf32, #tpu.memory_space<vmem>>
      tpu.wait_dma2 semaphore(%run_scoped3A_208 : memref<!tpu.dma_semaphore, #tpu.memory_space<semaphore_mem>>) src(%dma_wait3A_232 : memref<128x128xf32, #tpu.memory_space<vmem>>) dst(%dma_wait3A_228 : memref<128x128xf32, #tpu.memory_space<hbm>>)
      tpu.yield
    }) : () -> ()
    %dma_wait3A_63 = arith.constant 0 : i32
    %dma_wait3A_64 = arith.constant 0 : i32
    %dma_wait3A_65 = arith.constant 0 : i32
    %dma_wait3A_66 = arith.constant 0 : i32
    %dma_wait3A_67 = tpu.memref_slice %arg11[%dma_wait3A_64, %dma_wait3A_65, %dma_wait3A_66] : memref<2x128x128xf32, #tpu.memory_space<vmem>> -> memref<1x128x128xf32, #tpu.memory_space<vmem>>
    %dma_wait3A_68 = tpu.memref_squeeze %dma_wait3A_67 : memref<1x128x128xf32, #tpu.memory_space<vmem>> -> memref<128x128xf32, #tpu.memory_space<vmem>>
    %dma_wait3A_69 = arith.constant 0 : i32
    %dma_wait3A_70 = tpu.memref_slice %arg9[%dma_wait3A_63, %dma_wait3A_69] : memref<4x128xi32, #tpu.memory_space<vmem>> -> memref<1x128xi32, #tpu.memory_space<vmem>>
    %dma_wait3A_71 = tpu.memref_squeeze %dma_wait3A_70 : memref<1x128xi32, #tpu.memory_space<vmem>> -> memref<128xi32, #tpu.memory_space<vmem>>
    %dma_wait3A_72 = arith.constant 0 : i32
    %dma_wait3A_73 = arith.constant 0 : i32
    %dma_wait3A_74 = tpu.memref_slice %arg5[%dma_wait3A_72, %dma_wait3A_73] : memref<251904x128xf32, #tpu.memory_space<hbm>> -> memref<251904x128xf32, #tpu.memory_space<hbm>>
    tpu.wait_indirect_dma semaphore(%arg12 : memref<!tpu.dma_semaphore, #tpu.memory_space<semaphore_mem>>) src(%dma_wait3A_74 : memref<251904x128xf32, #tpu.memory_space<hbm>>) dst(%dma_wait3A_68 : memref<128x128xf32, #tpu.memory_space<vmem>>)
    %run_scoped3A_75 = arith.constant 0 : i32
    "tpu.region"() ({
      %run_scoped3A_208 = tpu.sem_alloc : memref<!tpu.dma_semaphore, #tpu.memory_space<semaphore_mem>>
      %dma_start3A_209 = arith.constant 0 : i32
      %dma_start3A_210 = arith.constant 0 : i32
      %dma_start3A_211 = tpu.memref_slice %arg11[%run_scoped3A_75, %dma_start3A_209, %dma_start3A_210] : memref<2x128x128xf32, #tpu.memory_space<vmem>> -> memref<1x128x128xf32, #tpu.memory_space<vmem>>
      %dma_start3A_212 = tpu.memref_squeeze %dma_start3A_211 : memref<1x128x128xf32, #tpu.memory_space<vmem>> -> memref<128x128xf32, #tpu.memory_space<vmem>>
      %dma_start3A_213 = arith.constant 0 : i32
      %dma_start3A_214 = tpu.memref_slice %arg7[%add3A_51, %dma_start3A_213] : memref<16384x128xf32, #tpu.memory_space<hbm>> -> memref<128x128xf32, #tpu.memory_space<hbm>>
      %dma_start3A_215 = arith.constant 0 : i32
      %dma_start3A_216 = tpu.memref_slice %arg7[%add3A_51, %dma_start3A_215] : memref<16384x128xf32, #tpu.memory_space<hbm>> -> memref<128x128xf32, #tpu.memory_space<hbm>>
      %dma_start3A_217 = arith.constant 0 : i32
      %dma_start3A_218 = arith.constant 0 : i32
      %dma_start3A_219 = tpu.memref_slice %arg11[%run_scoped3A_75, %dma_start3A_217, %dma_start3A_218] : memref<2x128x128xf32, #tpu.memory_space<vmem>> -> memref<1x128x128xf32, #tpu.memory_space<vmem>>
      %dma_start3A_220 = tpu.memref_squeeze %dma_start3A_219 : memref<1x128x128xf32, #tpu.memory_space<vmem>> -> memref<128x128xf32, #tpu.memory_space<vmem>>
      tpu.enqueue_dma source(%dma_start3A_220 : memref<128x128xf32, #tpu.memory_space<vmem>>) target(%dma_start3A_216 : memref<128x128xf32, #tpu.memory_space<hbm>>) target_semaphore(%run_scoped3A_208 : memref<!tpu.dma_semaphore, #tpu.memory_space<semaphore_mem>>)
      %dma_wait3A_221 = arith.constant 0 : i32
      %dma_wait3A_222 = arith.constant 0 : i32
      %dma_wait3A_223 = tpu.memref_slice %arg11[%run_scoped3A_75, %dma_wait3A_221, %dma_wait3A_222] : memref<2x128x128xf32, #tpu.memory_space<vmem>> -> memref<1x128x128xf32, #tpu.memory_space<vmem>>
      %dma_wait3A_224 = tpu.memref_squeeze %dma_wait3A_223 : memref<1x128x128xf32, #tpu.memory_space<vmem>> -> memref<128x128xf32, #tpu.memory_space<vmem>>
      %dma_wait3A_225 = arith.constant 0 : i32
      %dma_wait3A_226 = tpu.memref_slice %arg7[%add3A_51, %dma_wait3A_225] : memref<16384x128xf32, #tpu.memory_space<hbm>> -> memref<128x128xf32, #tpu.memory_space<hbm>>
      %dma_wait3A_227 = arith.constant 0 : i32
      %dma_wait3A_228 = tpu.memref_slice %arg7[%add3A_51, %dma_wait3A_227] : memref<16384x128xf32, #tpu.memory_space<hbm>> -> memref<128x128xf32, #tpu.memory_space<hbm>>
      %dma_wait3A_229 = arith.constant 0 : i32
      %dma_wait3A_230 = arith.constant 0 : i32
      %dma_wait3A_231 = tpu.memref_slice %arg11[%run_scoped3A_75, %dma_wait3A_229, %dma_wait3A_230] : memref<2x128x128xf32, #tpu.memory_space<vmem>> -> memref<1x128x128xf32, #tpu.memory_space<vmem>>
      %dma_wait3A_232 = tpu.memref_squeeze %dma_wait3A_231 : memref<1x128x128xf32, #tpu.memory_space<vmem>> -> memref<128x128xf32, #tpu.memory_space<vmem>>
      tpu.wait_dma2 semaphore(%run_scoped3A_208 : memref<!tpu.dma_semaphore, #tpu.memory_space<semaphore_mem>>) src(%dma_wait3A_232 : memref<128x128xf32, #tpu.memory_space<vmem>>) dst(%dma_wait3A_228 : memref<128x128xf32, #tpu.memory_space<hbm>>)
      tpu.yield
    }) : () -> ()
    %dma_start3A_76 = arith.constant 2 : i32
    %dma_start3A_77 = arith.constant 0 : i32
    %dma_start3A_78 = arith.constant 0 : i32
    %dma_start3A_79 = arith.constant 0 : i32
    %dma_start3A_80 = tpu.memref_slice %arg10[%dma_start3A_77, %dma_start3A_78, %dma_start3A_79] : memref<2x128x128xf32, #tpu.memory_space<vmem>> -> memref<1x128x128xf32, #tpu.memory_space<vmem>>
    %dma_start3A_81 = tpu.memref_squeeze %dma_start3A_80 : memref<1x128x128xf32, #tpu.memory_space<vmem>> -> memref<128x128xf32, #tpu.memory_space<vmem>>
    %dma_start3A_82 = arith.constant 0 : i32
    %dma_start3A_83 = tpu.memref_slice %arg8[%dma_start3A_76, %dma_start3A_82] : memref<4x128xi32, #tpu.memory_space<vmem>> -> memref<1x128xi32, #tpu.memory_space<vmem>>
    %dma_start3A_84 = tpu.memref_squeeze %dma_start3A_83 : memref<1x128xi32, #tpu.memory_space<vmem>> -> memref<128xi32, #tpu.memory_space<vmem>>
    %dma_start3A_85 = arith.constant 0 : i32
    %dma_start3A_86 = arith.constant 0 : i32
    %dma_start3A_87 = tpu.memref_slice %arg4[%dma_start3A_85, %dma_start3A_86] : memref<251904x128xf32, #tpu.memory_space<hbm>> -> memref<251904x128xf32, #tpu.memory_space<hbm>>
    tpu.enqueue_indirect_dma source(%dma_start3A_87 : memref<251904x128xf32, #tpu.memory_space<hbm>>) target(%dma_start3A_81 : memref<128x128xf32, #tpu.memory_space<vmem>>) offsets(%dma_start3A_84 : memref<128xi32, #tpu.memory_space<vmem>>) semaphore(%arg12 : memref<!tpu.dma_semaphore, #tpu.memory_space<semaphore_mem>>)
    %dma_start3A_88 = arith.constant 2 : i32
    %dma_start3A_89 = arith.constant 0 : i32
    %dma_start3A_90 = arith.constant 0 : i32
    %dma_start3A_91 = arith.constant 0 : i32
    %dma_start3A_92 = tpu.memref_slice %arg11[%dma_start3A_89, %dma_start3A_90, %dma_start3A_91] : memref<2x128x128xf32, #tpu.memory_space<vmem>> -> memref<1x128x128xf32, #tpu.memory_space<vmem>>
    %dma_start3A_93 = tpu.memref_squeeze %dma_start3A_92 : memref<1x128x128xf32, #tpu.memory_space<vmem>> -> memref<128x128xf32, #tpu.memory_space<vmem>>
    %dma_start3A_94 = arith.constant 0 : i32
    %dma_start3A_95 = tpu.memref_slice %arg9[%dma_start3A_88, %dma_start3A_94] : memref<4x128xi32, #tpu.memory_space<vmem>> -> memref<1x128xi32, #tpu.memory_space<vmem>>
    %dma_start3A_96 = tpu.memref_squeeze %dma_start3A_95 : memref<1x128xi32, #tpu.memory_space<vmem>> -> memref<128xi32, #tpu.memory_space<vmem>>
    %dma_start3A_97 = arith.constant 0 : i32
    %dma_start3A_98 = arith.constant 0 : i32
    %dma_start3A_99 = tpu.memref_slice %arg5[%dma_start3A_97, %dma_start3A_98] : memref<251904x128xf32, #tpu.memory_space<hbm>> -> memref<251904x128xf32, #tpu.memory_space<hbm>>
    tpu.enqueue_indirect_dma source(%dma_start3A_99 : memref<251904x128xf32, #tpu.memory_space<hbm>>) target(%dma_start3A_93 : memref<128x128xf32, #tpu.memory_space<vmem>>) offsets(%dma_start3A_96 : memref<128xi32, #tpu.memory_space<vmem>>) semaphore(%arg12 : memref<!tpu.dma_semaphore, #tpu.memory_space<semaphore_mem>>)
    %add3A_100 = arith.constant 128 : i32
    %add3A_101 = arith.addi %mul3A_2, %add3A_100 : i32
    %dma_wait3A_102 = arith.constant 1 : i32
    %dma_wait3A_103 = arith.constant 1 : i32
    %dma_wait3A_104 = arith.constant 0 : i32
    %dma_wait3A_105 = arith.constant 0 : i32
    %dma_wait3A_106 = tpu.memref_slice %arg10[%dma_wait3A_103, %dma_wait3A_104, %dma_wait3A_105] : memref<2x128x128xf32, #tpu.memory_space<vmem>> -> memref<1x128x128xf32, #tpu.memory_space<vmem>>
    %dma_wait3A_107 = tpu.memref_squeeze %dma_wait3A_106 : memref<1x128x128xf32, #tpu.memory_space<vmem>> -> memref<128x128xf32, #tpu.memory_space<vmem>>
    %dma_wait3A_108 = arith.constant 0 : i32
    %dma_wait3A_109 = tpu.memref_slice %arg8[%dma_wait3A_102, %dma_wait3A_108] : memref<4x128xi32, #tpu.memory_space<vmem>> -> memref<1x128xi32, #tpu.memory_space<vmem>>
    %dma_wait3A_110 = tpu.memref_squeeze %dma_wait3A_109 : memref<1x128xi32, #tpu.memory_space<vmem>> -> memref<128xi32, #tpu.memory_space<vmem>>
    %dma_wait3A_111 = arith.constant 0 : i32
    %dma_wait3A_112 = arith.constant 0 : i32
    %dma_wait3A_113 = tpu.memref_slice %arg4[%dma_wait3A_111, %dma_wait3A_112] : memref<251904x128xf32, #tpu.memory_space<hbm>> -> memref<251904x128xf32, #tpu.memory_space<hbm>>
    tpu.wait_indirect_dma semaphore(%arg12 : memref<!tpu.dma_semaphore, #tpu.memory_space<semaphore_mem>>) src(%dma_wait3A_113 : memref<251904x128xf32, #tpu.memory_space<hbm>>) dst(%dma_wait3A_107 : memref<128x128xf32, #tpu.memory_space<vmem>>)
    %run_scoped3A_114 = arith.constant 1 : i32
    "tpu.region"() ({
      %run_scoped3A_208 = tpu.sem_alloc : memref<!tpu.dma_semaphore, #tpu.memory_space<semaphore_mem>>
      %dma_start3A_209 = arith.constant 0 : i32
      %dma_start3A_210 = arith.constant 0 : i32
      %dma_start3A_211 = tpu.memref_slice %arg10[%run_scoped3A_114, %dma_start3A_209, %dma_start3A_210] : memref<2x128x128xf32, #tpu.memory_space<vmem>> -> memref<1x128x128xf32, #tpu.memory_space<vmem>>
      %dma_start3A_212 = tpu.memref_squeeze %dma_start3A_211 : memref<1x128x128xf32, #tpu.memory_space<vmem>> -> memref<128x128xf32, #tpu.memory_space<vmem>>
      %dma_start3A_213 = arith.constant 0 : i32
      %dma_start3A_214 = tpu.memref_slice %arg6[%add3A_101, %dma_start3A_213] : memref<16384x128xf32, #tpu.memory_space<hbm>> -> memref<128x128xf32, #tpu.memory_space<hbm>>
      %dma_start3A_215 = arith.constant 0 : i32
      %dma_start3A_216 = tpu.memref_slice %arg6[%add3A_101, %dma_start3A_215] : memref<16384x128xf32, #tpu.memory_space<hbm>> -> memref<128x128xf32, #tpu.memory_space<hbm>>
      %dma_start3A_217 = arith.constant 0 : i32
      %dma_start3A_218 = arith.constant 0 : i32
      %dma_start3A_219 = tpu.memref_slice %arg10[%run_scoped3A_114, %dma_start3A_217, %dma_start3A_218] : memref<2x128x128xf32, #tpu.memory_space<vmem>> -> memref<1x128x128xf32, #tpu.memory_space<vmem>>
      %dma_start3A_220 = tpu.memref_squeeze %dma_start3A_219 : memref<1x128x128xf32, #tpu.memory_space<vmem>> -> memref<128x128xf32, #tpu.memory_space<vmem>>
      tpu.enqueue_dma source(%dma_start3A_220 : memref<128x128xf32, #tpu.memory_space<vmem>>) target(%dma_start3A_216 : memref<128x128xf32, #tpu.memory_space<hbm>>) target_semaphore(%run_scoped3A_208 : memref<!tpu.dma_semaphore, #tpu.memory_space<semaphore_mem>>)
      %dma_wait3A_221 = arith.constant 0 : i32
      %dma_wait3A_222 = arith.constant 0 : i32
      %dma_wait3A_223 = tpu.memref_slice %arg10[%run_scoped3A_114, %dma_wait3A_221, %dma_wait3A_222] : memref<2x128x128xf32, #tpu.memory_space<vmem>> -> memref<1x128x128xf32, #tpu.memory_space<vmem>>
      %dma_wait3A_224 = tpu.memref_squeeze %dma_wait3A_223 : memref<1x128x128xf32, #tpu.memory_space<vmem>> -> memref<128x128xf32, #tpu.memory_space<vmem>>
      %dma_wait3A_225 = arith.constant 0 : i32
      %dma_wait3A_226 = tpu.memref_slice %arg6[%add3A_101, %dma_wait3A_225] : memref<16384x128xf32, #tpu.memory_space<hbm>> -> memref<128x128xf32, #tpu.memory_space<hbm>>
      %dma_wait3A_227 = arith.constant 0 : i32
      %dma_wait3A_228 = tpu.memref_slice %arg6[%add3A_101, %dma_wait3A_227] : memref<16384x128xf32, #tpu.memory_space<hbm>> -> memref<128x128xf32, #tpu.memory_space<hbm>>
      %dma_wait3A_229 = arith.constant 0 : i32
      %dma_wait3A_230 = arith.constant 0 : i32
      %dma_wait3A_231 = tpu.memref_slice %arg10[%run_scoped3A_114, %dma_wait3A_229, %dma_wait3A_230] : memref<2x128x128xf32, #tpu.memory_space<vmem>> -> memref<1x128x128xf32, #tpu.memory_space<vmem>>
      %dma_wait3A_232 = tpu.memref_squeeze %dma_wait3A_231 : memref<1x128x128xf32, #tpu.memory_space<vmem>> -> memref<128x128xf32, #tpu.memory_space<vmem>>
      tpu.wait_dma2 semaphore(%run_scoped3A_208 : memref<!tpu.dma_semaphore, #tpu.memory_space<semaphore_mem>>) src(%dma_wait3A_232 : memref<128x128xf32, #tpu.memory_space<vmem>>) dst(%dma_wait3A_228 : memref<128x128xf32, #tpu.memory_space<hbm>>)
      tpu.yield
    }) : () -> ()
    %dma_wait3A_115 = arith.constant 1 : i32
    %dma_wait3A_116 = arith.constant 1 : i32
    %dma_wait3A_117 = arith.constant 0 : i32
    %dma_wait3A_118 = arith.constant 0 : i32
    %dma_wait3A_119 = tpu.memref_slice %arg11[%dma_wait3A_116, %dma_wait3A_117, %dma_wait3A_118] : memref<2x128x128xf32, #tpu.memory_space<vmem>> -> memref<1x128x128xf32, #tpu.memory_space<vmem>>
    %dma_wait3A_120 = tpu.memref_squeeze %dma_wait3A_119 : memref<1x128x128xf32, #tpu.memory_space<vmem>> -> memref<128x128xf32, #tpu.memory_space<vmem>>
    %dma_wait3A_121 = arith.constant 0 : i32
    %dma_wait3A_122 = tpu.memref_slice %arg9[%dma_wait3A_115, %dma_wait3A_121] : memref<4x128xi32, #tpu.memory_space<vmem>> -> memref<1x128xi32, #tpu.memory_space<vmem>>
    %dma_wait3A_123 = tpu.memref_squeeze %dma_wait3A_122 : memref<1x128xi32, #tpu.memory_space<vmem>> -> memref<128xi32, #tpu.memory_space<vmem>>
    %dma_wait3A_124 = arith.constant 0 : i32
    %dma_wait3A_125 = arith.constant 0 : i32
    %dma_wait3A_126 = tpu.memref_slice %arg5[%dma_wait3A_124, %dma_wait3A_125] : memref<251904x128xf32, #tpu.memory_space<hbm>> -> memref<251904x128xf32, #tpu.memory_space<hbm>>
    tpu.wait_indirect_dma semaphore(%arg12 : memref<!tpu.dma_semaphore, #tpu.memory_space<semaphore_mem>>) src(%dma_wait3A_126 : memref<251904x128xf32, #tpu.memory_space<hbm>>) dst(%dma_wait3A_120 : memref<128x128xf32, #tpu.memory_space<vmem>>)
    %run_scoped3A_127 = arith.constant 1 : i32
    "tpu.region"() ({
      %run_scoped3A_208 = tpu.sem_alloc : memref<!tpu.dma_semaphore, #tpu.memory_space<semaphore_mem>>
      %dma_start3A_209 = arith.constant 0 : i32
      %dma_start3A_210 = arith.constant 0 : i32
      %dma_start3A_211 = tpu.memref_slice %arg11[%run_scoped3A_127, %dma_start3A_209, %dma_start3A_210] : memref<2x128x128xf32, #tpu.memory_space<vmem>> -> memref<1x128x128xf32, #tpu.memory_space<vmem>>
      %dma_start3A_212 = tpu.memref_squeeze %dma_start3A_211 : memref<1x128x128xf32, #tpu.memory_space<vmem>> -> memref<128x128xf32, #tpu.memory_space<vmem>>
      %dma_start3A_213 = arith.constant 0 : i32
      %dma_start3A_214 = tpu.memref_slice %arg7[%add3A_101, %dma_start3A_213] : memref<16384x128xf32, #tpu.memory_space<hbm>> -> memref<128x128xf32, #tpu.memory_space<hbm>>
      %dma_start3A_215 = arith.constant 0 : i32
      %dma_start3A_216 = tpu.memref_slice %arg7[%add3A_101, %dma_start3A_215] : memref<16384x128xf32, #tpu.memory_space<hbm>> -> memref<128x128xf32, #tpu.memory_space<hbm>>
      %dma_start3A_217 = arith.constant 0 : i32
      %dma_start3A_218 = arith.constant 0 : i32
      %dma_start3A_219 = tpu.memref_slice %arg11[%run_scoped3A_127, %dma_start3A_217, %dma_start3A_218] : memref<2x128x128xf32, #tpu.memory_space<vmem>> -> memref<1x128x128xf32, #tpu.memory_space<vmem>>
      %dma_start3A_220 = tpu.memref_squeeze %dma_start3A_219 : memref<1x128x128xf32, #tpu.memory_space<vmem>> -> memref<128x128xf32, #tpu.memory_space<vmem>>
      tpu.enqueue_dma source(%dma_start3A_220 : memref<128x128xf32, #tpu.memory_space<vmem>>) target(%dma_start3A_216 : memref<128x128xf32, #tpu.memory_space<hbm>>) target_semaphore(%run_scoped3A_208 : memref<!tpu.dma_semaphore, #tpu.memory_space<semaphore_mem>>)
      %dma_wait3A_221 = arith.constant 0 : i32
      %dma_wait3A_222 = arith.constant 0 : i32
      %dma_wait3A_223 = tpu.memref_slice %arg11[%run_scoped3A_127, %dma_wait3A_221, %dma_wait3A_222] : memref<2x128x128xf32, #tpu.memory_space<vmem>> -> memref<1x128x128xf32, #tpu.memory_space<vmem>>
      %dma_wait3A_224 = tpu.memref_squeeze %dma_wait3A_223 : memref<1x128x128xf32, #tpu.memory_space<vmem>> -> memref<128x128xf32, #tpu.memory_space<vmem>>
      %dma_wait3A_225 = arith.constant 0 : i32
      %dma_wait3A_226 = tpu.memref_slice %arg7[%add3A_101, %dma_wait3A_225] : memref<16384x128xf32, #tpu.memory_space<hbm>> -> memref<128x128xf32, #tpu.memory_space<hbm>>
      %dma_wait3A_227 = arith.constant 0 : i32
      %dma_wait3A_228 = tpu.memref_slice %arg7[%add3A_101, %dma_wait3A_227] : memref<16384x128xf32, #tpu.memory_space<hbm>> -> memref<128x128xf32, #tpu.memory_space<hbm>>
      %dma_wait3A_229 = arith.constant 0 : i32
      %dma_wait3A_230 = arith.constant 0 : i32
      %dma_wait3A_231 = tpu.memref_slice %arg11[%run_scoped3A_127, %dma_wait3A_229, %dma_wait3A_230] : memref<2x128x128xf32, #tpu.memory_space<vmem>> -> memref<1x128x128xf32, #tpu.memory_space<vmem>>
      %dma_wait3A_232 = tpu.memref_squeeze %dma_wait3A_231 : memref<1x128x128xf32, #tpu.memory_space<vmem>> -> memref<128x128xf32, #tpu.memory_space<vmem>>
      tpu.wait_dma2 semaphore(%run_scoped3A_208 : memref<!tpu.dma_semaphore, #tpu.memory_space<semaphore_mem>>) src(%dma_wait3A_232 : memref<128x128xf32, #tpu.memory_space<vmem>>) dst(%dma_wait3A_228 : memref<128x128xf32, #tpu.memory_space<hbm>>)
      tpu.yield
    }) : () -> ()
    %dma_start3A_128 = arith.constant 3 : i32
    %dma_start3A_129 = arith.constant 1 : i32
    %dma_start3A_130 = arith.constant 0 : i32
    %dma_start3A_131 = arith.constant 0 : i32
    %dma_start3A_132 = tpu.memref_slice %arg10[%dma_start3A_129, %dma_start3A_130, %dma_start3A_131] : memref<2x128x128xf32, #tpu.memory_space<vmem>> -> memref<1x128x128xf32, #tpu.memory_space<vmem>>
    %dma_start3A_133 = tpu.memref_squeeze %dma_start3A_132 : memref<1x128x128xf32, #tpu.memory_space<vmem>> -> memref<128x128xf32, #tpu.memory_space<vmem>>
    %dma_start3A_134 = arith.constant 0 : i32
    %dma_start3A_135 = tpu.memref_slice %arg8[%dma_start3A_128, %dma_start3A_134] : memref<4x128xi32, #tpu.memory_space<vmem>> -> memref<1x128xi32, #tpu.memory_space<vmem>>
    %dma_start3A_136 = tpu.memref_squeeze %dma_start3A_135 : memref<1x128xi32, #tpu.memory_space<vmem>> -> memref<128xi32, #tpu.memory_space<vmem>>
    %dma_start3A_137 = arith.constant 0 : i32
    %dma_start3A_138 = arith.constant 0 : i32
    %dma_start3A_139 = tpu.memref_slice %arg4[%dma_start3A_137, %dma_start3A_138] : memref<251904x128xf32, #tpu.memory_space<hbm>> -> memref<251904x128xf32, #tpu.memory_space<hbm>>
    tpu.enqueue_indirect_dma source(%dma_start3A_139 : memref<251904x128xf32, #tpu.memory_space<hbm>>) target(%dma_start3A_133 : memref<128x128xf32, #tpu.memory_space<vmem>>) offsets(%dma_start3A_136 : memref<128xi32, #tpu.memory_space<vmem>>) semaphore(%arg12 : memref<!tpu.dma_semaphore, #tpu.memory_space<semaphore_mem>>)
    %dma_start3A_140 = arith.constant 3 : i32
    %dma_start3A_141 = arith.constant 1 : i32
    %dma_start3A_142 = arith.constant 0 : i32
    %dma_start3A_143 = arith.constant 0 : i32
    %dma_start3A_144 = tpu.memref_slice %arg11[%dma_start3A_141, %dma_start3A_142, %dma_start3A_143] : memref<2x128x128xf32, #tpu.memory_space<vmem>> -> memref<1x128x128xf32, #tpu.memory_space<vmem>>
    %dma_start3A_145 = tpu.memref_squeeze %dma_start3A_144 : memref<1x128x128xf32, #tpu.memory_space<vmem>> -> memref<128x128xf32, #tpu.memory_space<vmem>>
    %dma_start3A_146 = arith.constant 0 : i32
    %dma_start3A_147 = tpu.memref_slice %arg9[%dma_start3A_140, %dma_start3A_146] : memref<4x128xi32, #tpu.memory_space<vmem>> -> memref<1x128xi32, #tpu.memory_space<vmem>>
    %dma_start3A_148 = tpu.memref_squeeze %dma_start3A_147 : memref<1x128xi32, #tpu.memory_space<vmem>> -> memref<128xi32, #tpu.memory_space<vmem>>
    %dma_start3A_149 = arith.constant 0 : i32
    %dma_start3A_150 = arith.constant 0 : i32
    %dma_start3A_151 = tpu.memref_slice %arg5[%dma_start3A_149, %dma_start3A_150] : memref<251904x128xf32, #tpu.memory_space<hbm>> -> memref<251904x128xf32, #tpu.memory_space<hbm>>
    tpu.enqueue_indirect_dma source(%dma_start3A_151 : memref<251904x128xf32, #tpu.memory_space<hbm>>) target(%dma_start3A_145 : memref<128x128xf32, #tpu.memory_space<vmem>>) offsets(%dma_start3A_148 : memref<128xi32, #tpu.memory_space<vmem>>) semaphore(%arg12 : memref<!tpu.dma_semaphore, #tpu.memory_space<semaphore_mem>>)
    %add3A_152 = arith.constant 256 : i32
    %add3A_153 = arith.addi %mul3A_2, %add3A_152 : i32
    %dma_wait3A_154 = arith.constant 2 : i32
    %dma_wait3A_155 = arith.constant 0 : i32
    %dma_wait3A_156 = arith.constant 0 : i32
    %dma_wait3A_157 = arith.constant 0 : i32
    %dma_wait3A_158 = tpu.memref_slice %arg10[%dma_wait3A_155, %dma_wait3A_156, %dma_wait3A_157] : memref<2x128x128xf32, #tpu.memory_space<vmem>> -> memref<1x128x128xf32, #tpu.memory_space<vmem>>
    %dma_wait3A_159 = tpu.memref_squeeze %dma_wait3A_158 : memref<1x128x128xf32, #tpu.memory_space<vmem>> -> memref<128x128xf32, #tpu.memory_space<vmem>>
    %dma_wait3A_160 = arith.constant 0 : i32
    %dma_wait3A_161 = tpu.memref_slice %arg8[%dma_wait3A_154, %dma_wait3A_160] : memref<4x128xi32, #tpu.memory_space<vmem>> -> memref<1x128xi32, #tpu.memory_space<vmem>>
    %dma_wait3A_162 = tpu.memref_squeeze %dma_wait3A_161 : memref<1x128xi32, #tpu.memory_space<vmem>> -> memref<128xi32, #tpu.memory_space<vmem>>
    %dma_wait3A_163 = arith.constant 0 : i32
    %dma_wait3A_164 = arith.constant 0 : i32
    %dma_wait3A_165 = tpu.memref_slice %arg4[%dma_wait3A_163, %dma_wait3A_164] : memref<251904x128xf32, #tpu.memory_space<hbm>> -> memref<251904x128xf32, #tpu.memory_space<hbm>>
    tpu.wait_indirect_dma semaphore(%arg12 : memref<!tpu.dma_semaphore, #tpu.memory_space<semaphore_mem>>) src(%dma_wait3A_165 : memref<251904x128xf32, #tpu.memory_space<hbm>>) dst(%dma_wait3A_159 : memref<128x128xf32, #tpu.memory_space<vmem>>)
    %run_scoped3A_166 = arith.constant 0 : i32
    "tpu.region"() ({
      %run_scoped3A_208 = tpu.sem_alloc : memref<!tpu.dma_semaphore, #tpu.memory_space<semaphore_mem>>
      %dma_start3A_209 = arith.constant 0 : i32
      %dma_start3A_210 = arith.constant 0 : i32
      %dma_start3A_211 = tpu.memref_slice %arg10[%run_scoped3A_166, %dma_start3A_209, %dma_start3A_210] : memref<2x128x128xf32, #tpu.memory_space<vmem>> -> memref<1x128x128xf32, #tpu.memory_space<vmem>>
      %dma_start3A_212 = tpu.memref_squeeze %dma_start3A_211 : memref<1x128x128xf32, #tpu.memory_space<vmem>> -> memref<128x128xf32, #tpu.memory_space<vmem>>
      %dma_start3A_213 = arith.constant 0 : i32
      %dma_start3A_214 = tpu.memref_slice %arg6[%add3A_153, %dma_start3A_213] : memref<16384x128xf32, #tpu.memory_space<hbm>> -> memref<128x128xf32, #tpu.memory_space<hbm>>
      %dma_start3A_215 = arith.constant 0 : i32
      %dma_start3A_216 = tpu.memref_slice %arg6[%add3A_153, %dma_start3A_215] : memref<16384x128xf32, #tpu.memory_space<hbm>> -> memref<128x128xf32, #tpu.memory_space<hbm>>
      %dma_start3A_217 = arith.constant 0 : i32
      %dma_start3A_218 = arith.constant 0 : i32
      %dma_start3A_219 = tpu.memref_slice %arg10[%run_scoped3A_166, %dma_start3A_217, %dma_start3A_218] : memref<2x128x128xf32, #tpu.memory_space<vmem>> -> memref<1x128x128xf32, #tpu.memory_space<vmem>>
      %dma_start3A_220 = tpu.memref_squeeze %dma_start3A_219 : memref<1x128x128xf32, #tpu.memory_space<vmem>> -> memref<128x128xf32, #tpu.memory_space<vmem>>
      tpu.enqueue_dma source(%dma_start3A_220 : memref<128x128xf32, #tpu.memory_space<vmem>>) target(%dma_start3A_216 : memref<128x128xf32, #tpu.memory_space<hbm>>) target_semaphore(%run_scoped3A_208 : memref<!tpu.dma_semaphore, #tpu.memory_space<semaphore_mem>>)
      %dma_wait3A_221 = arith.constant 0 : i32
      %dma_wait3A_222 = arith.constant 0 : i32
      %dma_wait3A_223 = tpu.memref_slice %arg10[%run_scoped3A_166, %dma_wait3A_221, %dma_wait3A_222] : memref<2x128x128xf32, #tpu.memory_space<vmem>> -> memref<1x128x128xf32, #tpu.memory_space<vmem>>
      %dma_wait3A_224 = tpu.memref_squeeze %dma_wait3A_223 : memref<1x128x128xf32, #tpu.memory_space<vmem>> -> memref<128x128xf32, #tpu.memory_space<vmem>>
      %dma_wait3A_225 = arith.constant 0 : i32
      %dma_wait3A_226 = tpu.memref_slice %arg6[%add3A_153, %dma_wait3A_225] : memref<16384x128xf32, #tpu.memory_space<hbm>> -> memref<128x128xf32, #tpu.memory_space<hbm>>
      %dma_wait3A_227 = arith.constant 0 : i32
      %dma_wait3A_228 = tpu.memref_slice %arg6[%add3A_153, %dma_wait3A_227] : memref<16384x128xf32, #tpu.memory_space<hbm>> -> memref<128x128xf32, #tpu.memory_space<hbm>>
      %dma_wait3A_229 = arith.constant 0 : i32
      %dma_wait3A_230 = arith.constant 0 : i32
      %dma_wait3A_231 = tpu.memref_slice %arg10[%run_scoped3A_166, %dma_wait3A_229, %dma_wait3A_230] : memref<2x128x128xf32, #tpu.memory_space<vmem>> -> memref<1x128x128xf32, #tpu.memory_space<vmem>>
      %dma_wait3A_232 = tpu.memref_squeeze %dma_wait3A_231 : memref<1x128x128xf32, #tpu.memory_space<vmem>> -> memref<128x128xf32, #tpu.memory_space<vmem>>
      tpu.wait_dma2 semaphore(%run_scoped3A_208 : memref<!tpu.dma_semaphore, #tpu.memory_space<semaphore_mem>>) src(%dma_wait3A_232 : memref<128x128xf32, #tpu.memory_space<vmem>>) dst(%dma_wait3A_228 : memref<128x128xf32, #tpu.memory_space<hbm>>)
      tpu.yield
    }) : () -> ()
    %dma_wait3A_167 = arith.constant 2 : i32
    %dma_wait3A_168 = arith.constant 0 : i32
    %dma_wait3A_169 = arith.constant 0 : i32
    %dma_wait3A_170 = arith.constant 0 : i32
    %dma_wait3A_171 = tpu.memref_slice %arg11[%dma_wait3A_168, %dma_wait3A_169, %dma_wait3A_170] : memref<2x128x128xf32, #tpu.memory_space<vmem>> -> memref<1x128x128xf32, #tpu.memory_space<vmem>>
    %dma_wait3A_172 = tpu.memref_squeeze %dma_wait3A_171 : memref<1x128x128xf32, #tpu.memory_space<vmem>> -> memref<128x128xf32, #tpu.memory_space<vmem>>
    %dma_wait3A_173 = arith.constant 0 : i32
    %dma_wait3A_174 = tpu.memref_slice %arg9[%dma_wait3A_167, %dma_wait3A_173] : memref<4x128xi32, #tpu.memory_space<vmem>> -> memref<1x128xi32, #tpu.memory_space<vmem>>
    %dma_wait3A_175 = tpu.memref_squeeze %dma_wait3A_174 : memref<1x128xi32, #tpu.memory_space<vmem>> -> memref<128xi32, #tpu.memory_space<vmem>>
    %dma_wait3A_176 = arith.constant 0 : i32
    %dma_wait3A_177 = arith.constant 0 : i32
    %dma_wait3A_178 = tpu.memref_slice %arg5[%dma_wait3A_176, %dma_wait3A_177] : memref<251904x128xf32, #tpu.memory_space<hbm>> -> memref<251904x128xf32, #tpu.memory_space<hbm>>
    tpu.wait_indirect_dma semaphore(%arg12 : memref<!tpu.dma_semaphore, #tpu.memory_space<semaphore_mem>>) src(%dma_wait3A_178 : memref<251904x128xf32, #tpu.memory_space<hbm>>) dst(%dma_wait3A_172 : memref<128x128xf32, #tpu.memory_space<vmem>>)
    %run_scoped3A_179 = arith.constant 0 : i32
    "tpu.region"() ({
      %run_scoped3A_208 = tpu.sem_alloc : memref<!tpu.dma_semaphore, #tpu.memory_space<semaphore_mem>>
      %dma_start3A_209 = arith.constant 0 : i32
      %dma_start3A_210 = arith.constant 0 : i32
      %dma_start3A_211 = tpu.memref_slice %arg11[%run_scoped3A_179, %dma_start3A_209, %dma_start3A_210] : memref<2x128x128xf32, #tpu.memory_space<vmem>> -> memref<1x128x128xf32, #tpu.memory_space<vmem>>
      %dma_start3A_212 = tpu.memref_squeeze %dma_start3A_211 : memref<1x128x128xf32, #tpu.memory_space<vmem>> -> memref<128x128xf32, #tpu.memory_space<vmem>>
      %dma_start3A_213 = arith.constant 0 : i32
      %dma_start3A_214 = tpu.memref_slice %arg7[%add3A_153, %dma_start3A_213] : memref<16384x128xf32, #tpu.memory_space<hbm>> -> memref<128x128xf32, #tpu.memory_space<hbm>>
      %dma_start3A_215 = arith.constant 0 : i32
      %dma_start3A_216 = tpu.memref_slice %arg7[%add3A_153, %dma_start3A_215] : memref<16384x128xf32, #tpu.memory_space<hbm>> -> memref<128x128xf32, #tpu.memory_space<hbm>>
      %dma_start3A_217 = arith.constant 0 : i32
      %dma_start3A_218 = arith.constant 0 : i32
      %dma_start3A_219 = tpu.memref_slice %arg11[%run_scoped3A_179, %dma_start3A_217, %dma_start3A_218] : memref<2x128x128xf32, #tpu.memory_space<vmem>> -> memref<1x128x128xf32, #tpu.memory_space<vmem>>
      %dma_start3A_220 = tpu.memref_squeeze %dma_start3A_219 : memref<1x128x128xf32, #tpu.memory_space<vmem>> -> memref<128x128xf32, #tpu.memory_space<vmem>>
      tpu.enqueue_dma source(%dma_start3A_220 : memref<128x128xf32, #tpu.memory_space<vmem>>) target(%dma_start3A_216 : memref<128x128xf32, #tpu.memory_space<hbm>>) target_semaphore(%run_scoped3A_208 : memref<!tpu.dma_semaphore, #tpu.memory_space<semaphore_mem>>)
      %dma_wait3A_221 = arith.constant 0 : i32
      %dma_wait3A_222 = arith.constant 0 : i32
      %dma_wait3A_223 = tpu.memref_slice %arg11[%run_scoped3A_179, %dma_wait3A_221, %dma_wait3A_222] : memref<2x128x128xf32, #tpu.memory_space<vmem>> -> memref<1x128x128xf32, #tpu.memory_space<vmem>>
      %dma_wait3A_224 = tpu.memref_squeeze %dma_wait3A_223 : memref<1x128x128xf32, #tpu.memory_space<vmem>> -> memref<128x128xf32, #tpu.memory_space<vmem>>
      %dma_wait3A_225 = arith.constant 0 : i32
      %dma_wait3A_226 = tpu.memref_slice %arg7[%add3A_153, %dma_wait3A_225] : memref<16384x128xf32, #tpu.memory_space<hbm>> -> memref<128x128xf32, #tpu.memory_space<hbm>>
      %dma_wait3A_227 = arith.constant 0 : i32
      %dma_wait3A_228 = tpu.memref_slice %arg7[%add3A_153, %dma_wait3A_227] : memref<16384x128xf32, #tpu.memory_space<hbm>> -> memref<128x128xf32, #tpu.memory_space<hbm>>
      %dma_wait3A_229 = arith.constant 0 : i32
      %dma_wait3A_230 = arith.constant 0 : i32
      %dma_wait3A_231 = tpu.memref_slice %arg11[%run_scoped3A_179, %dma_wait3A_229, %dma_wait3A_230] : memref<2x128x128xf32, #tpu.memory_space<vmem>> -> memref<1x128x128xf32, #tpu.memory_space<vmem>>
      %dma_wait3A_232 = tpu.memref_squeeze %dma_wait3A_231 : memref<1x128x128xf32, #tpu.memory_space<vmem>> -> memref<128x128xf32, #tpu.memory_space<vmem>>
      tpu.wait_dma2 semaphore(%run_scoped3A_208 : memref<!tpu.dma_semaphore, #tpu.memory_space<semaphore_mem>>) src(%dma_wait3A_232 : memref<128x128xf32, #tpu.memory_space<vmem>>) dst(%dma_wait3A_228 : memref<128x128xf32, #tpu.memory_space<hbm>>)
      tpu.yield
    }) : () -> ()
    %add3A_180 = arith.constant 384 : i32
    %add3A_181 = arith.addi %mul3A_2, %add3A_180 : i32
    %dma_wait3A_182 = arith.constant 3 : i32
    %dma_wait3A_183 = arith.constant 1 : i32
    %dma_wait3A_184 = arith.constant 0 : i32
    %dma_wait3A_185 = arith.constant 0 : i32
    %dma_wait3A_186 = tpu.memref_slice %arg10[%dma_wait3A_183, %dma_wait3A_184, %dma_wait3A_185] : memref<2x128x128xf32, #tpu.memory_space<vmem>> -> memref<1x128x128xf32, #tpu.memory_space<vmem>>
    %dma_wait3A_187 = tpu.memref_squeeze %dma_wait3A_186 : memref<1x128x128xf32, #tpu.memory_space<vmem>> -> memref<128x128xf32, #tpu.memory_space<vmem>>
    %dma_wait3A_188 = arith.constant 0 : i32
    %dma_wait3A_189 = tpu.memref_slice %arg8[%dma_wait3A_182, %dma_wait3A_188] : memref<4x128xi32, #tpu.memory_space<vmem>> -> memref<1x128xi32, #tpu.memory_space<vmem>>
    %dma_wait3A_190 = tpu.memref_squeeze %dma_wait3A_189 : memref<1x128xi32, #tpu.memory_space<vmem>> -> memref<128xi32, #tpu.memory_space<vmem>>
    %dma_wait3A_191 = arith.constant 0 : i32
    %dma_wait3A_192 = arith.constant 0 : i32
    %dma_wait3A_193 = tpu.memref_slice %arg4[%dma_wait3A_191, %dma_wait3A_192] : memref<251904x128xf32, #tpu.memory_space<hbm>> -> memref<251904x128xf32, #tpu.memory_space<hbm>>
    tpu.wait_indirect_dma semaphore(%arg12 : memref<!tpu.dma_semaphore, #tpu.memory_space<semaphore_mem>>) src(%dma_wait3A_193 : memref<251904x128xf32, #tpu.memory_space<hbm>>) dst(%dma_wait3A_187 : memref<128x128xf32, #tpu.memory_space<vmem>>)
    %run_scoped3A_194 = arith.constant 1 : i32
    "tpu.region"() ({
      %run_scoped3A_208 = tpu.sem_alloc : memref<!tpu.dma_semaphore, #tpu.memory_space<semaphore_mem>>
      %dma_start3A_209 = arith.constant 0 : i32
      %dma_start3A_210 = arith.constant 0 : i32
      %dma_start3A_211 = tpu.memref_slice %arg10[%run_scoped3A_194, %dma_start3A_209, %dma_start3A_210] : memref<2x128x128xf32, #tpu.memory_space<vmem>> -> memref<1x128x128xf32, #tpu.memory_space<vmem>>
      %dma_start3A_212 = tpu.memref_squeeze %dma_start3A_211 : memref<1x128x128xf32, #tpu.memory_space<vmem>> -> memref<128x128xf32, #tpu.memory_space<vmem>>
      %dma_start3A_213 = arith.constant 0 : i32
      %dma_start3A_214 = tpu.memref_slice %arg6[%add3A_181, %dma_start3A_213] : memref<16384x128xf32, #tpu.memory_space<hbm>> -> memref<128x128xf32, #tpu.memory_space<hbm>>
      %dma_start3A_215 = arith.constant 0 : i32
      %dma_start3A_216 = tpu.memref_slice %arg6[%add3A_181, %dma_start3A_215] : memref<16384x128xf32, #tpu.memory_space<hbm>> -> memref<128x128xf32, #tpu.memory_space<hbm>>
      %dma_start3A_217 = arith.constant 0 : i32
      %dma_start3A_218 = arith.constant 0 : i32
      %dma_start3A_219 = tpu.memref_slice %arg10[%run_scoped3A_194, %dma_start3A_217, %dma_start3A_218] : memref<2x128x128xf32, #tpu.memory_space<vmem>> -> memref<1x128x128xf32, #tpu.memory_space<vmem>>
      %dma_start3A_220 = tpu.memref_squeeze %dma_start3A_219 : memref<1x128x128xf32, #tpu.memory_space<vmem>> -> memref<128x128xf32, #tpu.memory_space<vmem>>
      tpu.enqueue_dma source(%dma_start3A_220 : memref<128x128xf32, #tpu.memory_space<vmem>>) target(%dma_start3A_216 : memref<128x128xf32, #tpu.memory_space<hbm>>) target_semaphore(%run_scoped3A_208 : memref<!tpu.dma_semaphore, #tpu.memory_space<semaphore_mem>>)
      %dma_wait3A_221 = arith.constant 0 : i32
      %dma_wait3A_222 = arith.constant 0 : i32
      %dma_wait3A_223 = tpu.memref_slice %arg10[%run_scoped3A_194, %dma_wait3A_221, %dma_wait3A_222] : memref<2x128x128xf32, #tpu.memory_space<vmem>> -> memref<1x128x128xf32, #tpu.memory_space<vmem>>
      %dma_wait3A_224 = tpu.memref_squeeze %dma_wait3A_223 : memref<1x128x128xf32, #tpu.memory_space<vmem>> -> memref<128x128xf32, #tpu.memory_space<vmem>>
      %dma_wait3A_225 = arith.constant 0 : i32
      %dma_wait3A_226 = tpu.memref_slice %arg6[%add3A_181, %dma_wait3A_225] : memref<16384x128xf32, #tpu.memory_space<hbm>> -> memref<128x128xf32, #tpu.memory_space<hbm>>
      %dma_wait3A_227 = arith.constant 0 : i32
      %dma_wait3A_228 = tpu.memref_slice %arg6[%add3A_181, %dma_wait3A_227] : memref<16384x128xf32, #tpu.memory_space<hbm>> -> memref<128x128xf32, #tpu.memory_space<hbm>>
      %dma_wait3A_229 = arith.constant 0 : i32
      %dma_wait3A_230 = arith.constant 0 : i32
      %dma_wait3A_231 = tpu.memref_slice %arg10[%run_scoped3A_194, %dma_wait3A_229, %dma_wait3A_230] : memref<2x128x128xf32, #tpu.memory_space<vmem>> -> memref<1x128x128xf32, #tpu.memory_space<vmem>>
      %dma_wait3A_232 = tpu.memref_squeeze %dma_wait3A_231 : memref<1x128x128xf32, #tpu.memory_space<vmem>> -> memref<128x128xf32, #tpu.memory_space<vmem>>
      tpu.wait_dma2 semaphore(%run_scoped3A_208 : memref<!tpu.dma_semaphore, #tpu.memory_space<semaphore_mem>>) src(%dma_wait3A_232 : memref<128x128xf32, #tpu.memory_space<vmem>>) dst(%dma_wait3A_228 : memref<128x128xf32, #tpu.memory_space<hbm>>)
      tpu.yield
    }) : () -> ()
    %dma_wait3A_195 = arith.constant 3 : i32
    %dma_wait3A_196 = arith.constant 1 : i32
    %dma_wait3A_197 = arith.constant 0 : i32
    %dma_wait3A_198 = arith.constant 0 : i32
    %dma_wait3A_199 = tpu.memref_slice %arg11[%dma_wait3A_196, %dma_wait3A_197, %dma_wait3A_198] : memref<2x128x128xf32, #tpu.memory_space<vmem>> -> memref<1x128x128xf32, #tpu.memory_space<vmem>>
    %dma_wait3A_200 = tpu.memref_squeeze %dma_wait3A_199 : memref<1x128x128xf32, #tpu.memory_space<vmem>> -> memref<128x128xf32, #tpu.memory_space<vmem>>
    %dma_wait3A_201 = arith.constant 0 : i32
    %dma_wait3A_202 = tpu.memref_slice %arg9[%dma_wait3A_195, %dma_wait3A_201] : memref<4x128xi32, #tpu.memory_space<vmem>> -> memref<1x128xi32, #tpu.memory_space<vmem>>
    %dma_wait3A_203 = tpu.memref_squeeze %dma_wait3A_202 : memref<1x128xi32, #tpu.memory_space<vmem>> -> memref<128xi32, #tpu.memory_space<vmem>>
    %dma_wait3A_204 = arith.constant 0 : i32
    %dma_wait3A_205 = arith.constant 0 : i32
    %dma_wait3A_206 = tpu.memref_slice %arg5[%dma_wait3A_204, %dma_wait3A_205] : memref<251904x128xf32, #tpu.memory_space<hbm>> -> memref<251904x128xf32, #tpu.memory_space<hbm>>
    tpu.wait_indirect_dma semaphore(%arg12 : memref<!tpu.dma_semaphore, #tpu.memory_space<semaphore_mem>>) src(%dma_wait3A_206 : memref<251904x128xf32, #tpu.memory_space<hbm>>) dst(%dma_wait3A_200 : memref<128x128xf32, #tpu.memory_space<vmem>>)
    %run_scoped3A_207 = arith.constant 1 : i32
    "tpu.region"() ({
      %run_scoped3A_208 = tpu.sem_alloc : memref<!tpu.dma_semaphore, #tpu.memory_space<semaphore_mem>>
      %dma_start3A_209 = arith.constant 0 : i32
      %dma_start3A_210 = arith.constant 0 : i32
      %dma_start3A_211 = tpu.memref_slice %arg11[%run_scoped3A_207, %dma_start3A_209, %dma_start3A_210] : memref<2x128x128xf32, #tpu.memory_space<vmem>> -> memref<1x128x128xf32, #tpu.memory_space<vmem>>
      %dma_start3A_212 = tpu.memref_squeeze %dma_start3A_211 : memref<1x128x128xf32, #tpu.memory_space<vmem>> -> memref<128x128xf32, #tpu.memory_space<vmem>>
      %dma_start3A_213 = arith.constant 0 : i32
      %dma_start3A_214 = tpu.memref_slice %arg7[%add3A_181, %dma_start3A_213] : memref<16384x128xf32, #tpu.memory_space<hbm>> -> memref<128x128xf32, #tpu.memory_space<hbm>>
      %dma_start3A_215 = arith.constant 0 : i32
      %dma_start3A_216 = tpu.memref_slice %arg7[%add3A_181, %dma_start3A_215] : memref<16384x128xf32, #tpu.memory_space<hbm>> -> memref<128x128xf32, #tpu.memory_space<hbm>>
      %dma_start3A_217 = arith.constant 0 : i32
      %dma_start3A_218 = arith.constant 0 : i32
      %dma_start3A_219 = tpu.memref_slice %arg11[%run_scoped3A_207, %dma_start3A_217, %dma_start3A_218] : memref<2x128x128xf32, #tpu.memory_space<vmem>> -> memref<1x128x128xf32, #tpu.memory_space<vmem>>
      %dma_start3A_220 = tpu.memref_squeeze %dma_start3A_219 : memref<1x128x128xf32, #tpu.memory_space<vmem>> -> memref<128x128xf32, #tpu.memory_space<vmem>>
      tpu.enqueue_dma source(%dma_start3A_220 : memref<128x128xf32, #tpu.memory_space<vmem>>) target(%dma_start3A_216 : memref<128x128xf32, #tpu.memory_space<hbm>>) target_semaphore(%run_scoped3A_208 : memref<!tpu.dma_semaphore, #tpu.memory_space<semaphore_mem>>)
      %dma_wait3A_221 = arith.constant 0 : i32
      %dma_wait3A_222 = arith.constant 0 : i32
      %dma_wait3A_223 = tpu.memref_slice %arg11[%run_scoped3A_207, %dma_wait3A_221, %dma_wait3A_222] : memref<2x128x128xf32, #tpu.memory_space<vmem>> -> memref<1x128x128xf32, #tpu.memory_space<vmem>>
      %dma_wait3A_224 = tpu.memref_squeeze %dma_wait3A_223 : memref<1x128x128xf32, #tpu.memory_space<vmem>> -> memref<128x128xf32, #tpu.memory_space<vmem>>
      %dma_wait3A_225 = arith.constant 0 : i32
      %dma_wait3A_226 = tpu.memref_slice %arg7[%add3A_181, %dma_wait3A_225] : memref<16384x128xf32, #tpu.memory_space<hbm>> -> memref<128x128xf32, #tpu.memory_space<hbm>>
      %dma_wait3A_227 = arith.constant 0 : i32
      %dma_wait3A_228 = tpu.memref_slice %arg7[%add3A_181, %dma_wait3A_227] : memref<16384x128xf32, #tpu.memory_space<hbm>> -> memref<128x128xf32, #tpu.memory_space<hbm>>
      %dma_wait3A_229 = arith.constant 0 : i32
      %dma_wait3A_230 = arith.constant 0 : i32
      %dma_wait3A_231 = tpu.memref_slice %arg11[%run_scoped3A_207, %dma_wait3A_229, %dma_wait3A_230] : memref<2x128x128xf32, #tpu.memory_space<vmem>> -> memref<1x128x128xf32, #tpu.memory_space<vmem>>
      %dma_wait3A_232 = tpu.memref_squeeze %dma_wait3A_231 : memref<1x128x128xf32, #tpu.memory_space<vmem>> -> memref<128x128xf32, #tpu.memory_space<vmem>>
      tpu.wait_dma2 semaphore(%run_scoped3A_208 : memref<!tpu.dma_semaphore, #tpu.memory_space<semaphore_mem>>) src(%dma_wait3A_232 : memref<128x128xf32, #tpu.memory_space<vmem>>) dst(%dma_wait3A_228 : memref<128x128xf32, #tpu.memory_space<hbm>>)
      tpu.yield
    }) : () -> ()
    return
  }
}

module attributes {stable_mosaic.version = 14 : i64} {
  func.func @_pack_body(%arg0: i32, %arg1: memref<32x8192xf32, #tpu.memory_space<vmem>>, %arg2: memref<32x8192xf32, #tpu.memory_space<vmem>>, %arg3: memref<2048x128xf32, #tpu.memory_space<vmem>>, %arg4: memref<2048x128xf32, #tpu.memory_space<vmem>>) attributes {dimension_semantics = [#tpu.dimension_semantics<arbitrary>], iteration_bounds = array<i64: 123>, scalar_prefetch = 0 : i64, scratch_operands = 0 : i64, tpu.core_type = #tpu.core_type<tc>, window_params = [{transform_indices = @transform_0, window_bounds = array<i64: 32, 8192>}, {transform_indices = @transform_1, window_bounds = array<i64: 32, 8192>}, {transform_indices = @transform_2, window_bounds = array<i64: 2048, 128>}, {transform_indices = @transform_3, window_bounds = array<i64: 2048, 128>}]} {
    %iota3A = tpu.iota {dimensions = array<i32: 0>} : vector<32x32xi32>
    %iota3A_0 = tpu.iota {dimensions = array<i32: 1>} : vector<32x32xi32>
    %eq3A = arith.cmpi eq, %iota3A, %iota3A_0 : vector<32x32xi32>
    %convert_element_type3A = arith.extui %eq3A : vector<32x32xi1> to vector<32x32xi32>
    %convert_element_type3A_1 = arith.sitofp %convert_element_type3A : vector<32x32xi32> to vector<32x32xf32>
    %get3A = arith.constant 0 : index
    %get3A_2 = arith.constant 0 : index
    %get3A_3 = vector.load %arg1[%get3A, %get3A_2] : memref<32x8192xf32, #tpu.memory_space<vmem>>, vector<32x2048xf32>
    %dot_general3A = arith.constant dense<0.000000e+00> : vector<2048x32xf32>
    %dot_general3A_4 = tpu.matmul %get3A_3, %convert_element_type3A_1, %dot_general3A {dimension_numbers = #tpu.dot_dimension_numbers<[0], [0], [1], [1], [0, 1, 1, 1], [], []>, transpose_lhs_hint = true} : vector<32x2048xf32>, vector<32x32xf32>, vector<2048x32xf32> -> vector<2048x32xf32>
    %swap3A = arith.constant 0 : index
    %swap3A_5 = arith.constant 0 : index
    %swap3A_6 = vector.load %arg3[%swap3A, %swap3A_5] : memref<2048x128xf32, #tpu.memory_space<vmem>>, vector<2048x32xf32>
    tpu.vector_store %arg3[%swap3A, %swap3A_5], %dot_general3A_4 {strides = array<i32>} : memref<2048x128xf32, #tpu.memory_space<vmem>>, vector<2048x32xf32>,
    %get3A_7 = arith.constant 0 : index
    %get3A_8 = arith.constant 2048 : index
    %get3A_9 = vector.load %arg1[%get3A_7, %get3A_8] : memref<32x8192xf32, #tpu.memory_space<vmem>>, vector<32x2048xf32>
    %dot_general3A_10 = arith.constant dense<0.000000e+00> : vector<2048x32xf32>
    %dot_general3A_11 = tpu.matmul %get3A_9, %convert_element_type3A_1, %dot_general3A_10 {dimension_numbers = #tpu.dot_dimension_numbers<[0], [0], [1], [1], [0, 1, 1, 1], [], []>, transpose_lhs_hint = true} : vector<32x2048xf32>, vector<32x32xf32>, vector<2048x32xf32> -> vector<2048x32xf32>
    %swap3A_12 = arith.constant 0 : index
    %swap3A_13 = arith.constant 32 : index
    %swap3A_14 = vector.load %arg3[%swap3A_12, %swap3A_13] : memref<2048x128xf32, #tpu.memory_space<vmem>>, vector<2048x32xf32>
    tpu.vector_store %arg3[%swap3A_12, %swap3A_13], %dot_general3A_11 {strides = array<i32>} : memref<2048x128xf32, #tpu.memory_space<vmem>>, vector<2048x32xf32>,
    %get3A_15 = arith.constant 0 : index
    %get3A_16 = arith.constant 4096 : index
    %get3A_17 = vector.load %arg1[%get3A_15, %get3A_16] : memref<32x8192xf32, #tpu.memory_space<vmem>>, vector<32x2048xf32>
    %dot_general3A_18 = arith.constant dense<0.000000e+00> : vector<2048x32xf32>
    %dot_general3A_19 = tpu.matmul %get3A_17, %convert_element_type3A_1, %dot_general3A_18 {dimension_numbers = #tpu.dot_dimension_numbers<[0], [0], [1], [1], [0, 1, 1, 1], [], []>, transpose_lhs_hint = true} : vector<32x2048xf32>, vector<32x32xf32>, vector<2048x32xf32> -> vector<2048x32xf32>
    %swap3A_20 = arith.constant 0 : index
    %swap3A_21 = arith.constant 64 : index
    %swap3A_22 = vector.load %arg3[%swap3A_20, %swap3A_21] : memref<2048x128xf32, #tpu.memory_space<vmem>>, vector<2048x32xf32>
    tpu.vector_store %arg3[%swap3A_20, %swap3A_21], %dot_general3A_19 {strides = array<i32>} : memref<2048x128xf32, #tpu.memory_space<vmem>>, vector<2048x32xf32>,
    %get3A_23 = arith.constant 0 : index
    %get3A_24 = arith.constant 6144 : index
    %get3A_25 = vector.load %arg1[%get3A_23, %get3A_24] : memref<32x8192xf32, #tpu.memory_space<vmem>>, vector<32x2048xf32>
    %dot_general3A_26 = arith.constant dense<0.000000e+00> : vector<2048x32xf32>
    %dot_general3A_27 = tpu.matmul %get3A_25, %convert_element_type3A_1, %dot_general3A_26 {dimension_numbers = #tpu.dot_dimension_numbers<[0], [0], [1], [1], [0, 1, 1, 1], [], []>, transpose_lhs_hint = true} : vector<32x2048xf32>, vector<32x32xf32>, vector<2048x32xf32> -> vector<2048x32xf32>
    %swap3A_28 = arith.constant 0 : index
    %swap3A_29 = arith.constant 96 : index
    %swap3A_30 = vector.load %arg3[%swap3A_28, %swap3A_29] : memref<2048x128xf32, #tpu.memory_space<vmem>>, vector<2048x32xf32>
    tpu.vector_store %arg3[%swap3A_28, %swap3A_29], %dot_general3A_27 {strides = array<i32>} : memref<2048x128xf32, #tpu.memory_space<vmem>>, vector<2048x32xf32>,
    %get3A_31 = arith.constant 0 : index
    %get3A_32 = arith.constant 0 : index
    %get3A_33 = vector.load %arg2[%get3A_31, %get3A_32] : memref<32x8192xf32, #tpu.memory_space<vmem>>, vector<32x2048xf32>
    %dot_general3A_34 = arith.constant dense<0.000000e+00> : vector<2048x32xf32>
    %dot_general3A_35 = tpu.matmul %get3A_33, %convert_element_type3A_1, %dot_general3A_34 {dimension_numbers = #tpu.dot_dimension_numbers<[0], [0], [1], [1], [0, 1, 1, 1], [], []>, transpose_lhs_hint = true} : vector<32x2048xf32>, vector<32x32xf32>, vector<2048x32xf32> -> vector<2048x32xf32>
    %swap3A_36 = arith.constant 0 : index
    %swap3A_37 = arith.constant 0 : index
    %swap3A_38 = vector.load %arg4[%swap3A_36, %swap3A_37] : memref<2048x128xf32, #tpu.memory_space<vmem>>, vector<2048x32xf32>
    tpu.vector_store %arg4[%swap3A_36, %swap3A_37], %dot_general3A_35 {strides = array<i32>} : memref<2048x128xf32, #tpu.memory_space<vmem>>, vector<2048x32xf32>,
    %get3A_39 = arith.constant 0 : index
    %get3A_40 = arith.constant 2048 : index
    %get3A_41 = vector.load %arg2[%get3A_39, %get3A_40] : memref<32x8192xf32, #tpu.memory_space<vmem>>, vector<32x2048xf32>
    %dot_general3A_42 = arith.constant dense<0.000000e+00> : vector<2048x32xf32>
    %dot_general3A_43 = tpu.matmul %get3A_41, %convert_element_type3A_1, %dot_general3A_42 {dimension_numbers = #tpu.dot_dimension_numbers<[0], [0], [1], [1], [0, 1, 1, 1], [], []>, transpose_lhs_hint = true} : vector<32x2048xf32>, vector<32x32xf32>, vector<2048x32xf32> -> vector<2048x32xf32>
    %swap3A_44 = arith.constant 0 : index
    %swap3A_45 = arith.constant 32 : index
    %swap3A_46 = vector.load %arg4[%swap3A_44, %swap3A_45] : memref<2048x128xf32, #tpu.memory_space<vmem>>, vector<2048x32xf32>
    tpu.vector_store %arg4[%swap3A_44, %swap3A_45], %dot_general3A_43 {strides = array<i32>} : memref<2048x128xf32, #tpu.memory_space<vmem>>, vector<2048x32xf32>,
    %get3A_47 = arith.constant 0 : index
    %get3A_48 = arith.constant 4096 : index
    %get3A_49 = vector.load %arg2[%get3A_47, %get3A_48] : memref<32x8192xf32, #tpu.memory_space<vmem>>, vector<32x2048xf32>
    %dot_general3A_50 = arith.constant dense<0.000000e+00> : vector<2048x32xf32>
    %dot_general3A_51 = tpu.matmul %get3A_49, %convert_element_type3A_1, %dot_general3A_50 {dimension_numbers = #tpu.dot_dimension_numbers<[0], [0], [1], [1], [0, 1, 1, 1], [], []>, transpose_lhs_hint = true} : vector<32x2048xf32>, vector<32x32xf32>, vector<2048x32xf32> -> vector<2048x32xf32>
    %swap3A_52 = arith.constant 0 : index
    %swap3A_53 = arith.constant 64 : index
    %swap3A_54 = vector.load %arg4[%swap3A_52, %swap3A_53] : memref<2048x128xf32, #tpu.memory_space<vmem>>, vector<2048x32xf32>
    tpu.vector_store %arg4[%swap3A_52, %swap3A_53], %dot_general3A_51 {strides = array<i32>} : memref<2048x128xf32, #tpu.memory_space<vmem>>, vector<2048x32xf32>,
    %get3A_55 = arith.constant 0 : index
    %get3A_56 = arith.constant 6144 : index
    %get3A_57 = vector.load %arg2[%get3A_55, %get3A_56] : memref<32x8192xf32, #tpu.memory_space<vmem>>, vector<32x2048xf32>
    %dot_general3A_58 = arith.constant dense<0.000000e+00> : vector<2048x32xf32>
    %dot_general3A_59 = tpu.matmul %get3A_57, %convert_element_type3A_1, %dot_general3A_58 {dimension_numbers = #tpu.dot_dimension_numbers<[0], [0], [1], [1], [0, 1, 1, 1], [], []>, transpose_lhs_hint = true} : vector<32x2048xf32>, vector<32x32xf32>, vector<2048x32xf32> -> vector<2048x32xf32>
    %swap3A_60 = arith.constant 0 : index
    %swap3A_61 = arith.constant 96 : index
    %swap3A_62 = vector.load %arg4[%swap3A_60, %swap3A_61] : memref<2048x128xf32, #tpu.memory_space<vmem>>, vector<2048x32xf32>
    tpu.vector_store %arg4[%swap3A_60, %swap3A_61], %dot_general3A_59 {strides = array<i32>} : memref<2048x128xf32, #tpu.memory_space<vmem>>, vector<2048x32xf32>,
    %eq3A_63 = arith.constant 122 : i32
    %eq3A_64 = arith.cmpi eq, %arg0, %eq3A_63 : i32
    %convert_element_type3A_65 = arith.extui %eq3A_64 : i1 to i32
    %cond3A = arith.constant 0 : i32
    %cond3A_66 = arith.cmpi ne, %convert_element_type3A_65, %cond3A : i32
    scf.if %cond3A_66 {
      %broadcast_in_dim3A = arith.constant 0.000000e+00 : f32
      %broadcast_in_dim3A_67 = vector.broadcast %broadcast_in_dim3A : f32 to vector<2048x96xf32>
      %swap3A_68 = arith.constant 0 : index
      %swap3A_69 = arith.constant 32 : index
      %swap3A_70 = vector.load %arg3[%swap3A_68, %swap3A_69] : memref<2048x128xf32, #tpu.memory_space<vmem>>, vector<2048x96xf32>
      tpu.vector_store %arg3[%swap3A_68, %swap3A_69], %broadcast_in_dim3A_67 {strides = array<i32>} : memref<2048x128xf32, #tpu.memory_space<vmem>>, vector<2048x96xf32>,
      %broadcast_in_dim3A_71 = arith.constant 0.000000e+00 : f32
      %broadcast_in_dim3A_72 = vector.broadcast %broadcast_in_dim3A_71 : f32 to vector<2048x96xf32>
      %swap3A_73 = arith.constant 0 : index
      %swap3A_74 = arith.constant 32 : index
      %swap3A_75 = vector.load %arg4[%swap3A_73, %swap3A_74] : memref<2048x128xf32, #tpu.memory_space<vmem>>, vector<2048x96xf32>
      tpu.vector_store %arg4[%swap3A_73, %swap3A_74], %broadcast_in_dim3A_72 {strides = array<i32>} : memref<2048x128xf32, #tpu.memory_space<vmem>>, vector<2048x96xf32>,
    } else {
    }
    return
  }
  func.func @transform_0(%arg0: i32) -> (i32, i32) {
    %c0_i32 = arith.constant 0 : i32
    %c0_i32_0 = arith.constant 0 : i32
    return %c0_i32, %arg0 : i32, i32
  }
  func.func @transform_1(%arg0: i32) -> (i32, i32) {
    %c0_i32 = arith.constant 0 : i32
    %c0_i32_0 = arith.constant 0 : i32
    return %c0_i32, %arg0 : i32, i32
  }
  func.func @transform_2(%arg0: i32) -> (i32, i32) {
    %c0_i32 = arith.constant 0 : i32
    %c0_i32_0 = arith.constant 0 : i32
    return %arg0, %c0_i32 : i32, i32
  }
  func.func @transform_3(%arg0: i32) -> (i32, i32) {
    %c0_i32 = arith.constant 0 : i32
    %c0_i32_0 = arith.constant 0 : i32
    return %arg0, %c0_i32 : i32, i32
  }
}

module attributes {stable_mosaic.version = 14 : i64} {
  func.func @_tc_body(%arg0: i32, %arg1: memref<2048x128xf32, #tpu.memory_space<vmem>>, %arg2: memref<2048x128xf32, #tpu.memory_space<vmem>>, %arg3: memref<2048x128xf32, #tpu.memory_space<vmem>>, %arg4: memref<2048x128xf32, #tpu.memory_space<vmem>>, %arg5: memref<2048x4xf32, #tpu.memory_space<vmem>>, %arg6: memref<2048x4xf32, #tpu.memory_space<vmem>>, %arg7: memref<128x128xf32, #tpu.memory_space<vmem>>, %arg8: memref<128x128xf32, #tpu.memory_space<vmem>>, %arg9: memref<1x128xf32, #tpu.memory_space<vmem>>, %arg10: memref<128x64xf32, #tpu.memory_space<vmem>>, %arg11: memref<1x64xf32, #tpu.memory_space<vmem>>, %arg12: memref<64x32xf32, #tpu.memory_space<vmem>>, %arg13: memref<1x32xf32, #tpu.memory_space<vmem>>, %arg14: memref<32x8xf32, #tpu.memory_space<vmem>>, %arg15: memref<32x8xf32, #tpu.memory_space<vmem>>, %arg16: memref<1x8xf32, #tpu.memory_space<vmem>>, %arg17: memref<2048x8xf32, #tpu.memory_space<vmem>>) attributes {dimension_semantics = [#tpu.dimension_semantics<arbitrary>], iteration_bounds = array<i64: 8>, scalar_prefetch = 0 : i64, scratch_operands = 0 : i64, tpu.core_type = #tpu.core_type<tc>, window_params = [{transform_indices = @transform_0, window_bounds = array<i64: 2048, 128>}, {transform_indices = @transform_1, window_bounds = array<i64: 2048, 128>}, {transform_indices = @transform_2, window_bounds = array<i64: 2048, 128>}, {transform_indices = @transform_3, window_bounds = array<i64: 2048, 128>}, {transform_indices = @transform_4, window_bounds = array<i64: 2048, 4>}, {transform_indices = @transform_5, window_bounds = array<i64: 2048, 4>}, {pipeline_mode = #tpu.pipeline_mode<synchronous>, transform_indices = @transform_6, window_bounds = array<i64: 128, 128>}, {pipeline_mode = #tpu.pipeline_mode<synchronous>, transform_indices = @transform_7, window_bounds = array<i64: 128, 128>}, {pipeline_mode = #tpu.pipeline_mode<synchronous>, transform_indices = @transform_8, window_bounds = array<i64: 1, 128>}, {pipeline_mode = #tpu.pipeline_mode<synchronous>, transform_indices = @transform_9, window_bounds = array<i64: 128, 64>}, {pipeline_mode = #tpu.pipeline_mode<synchronous>, transform_indices = @transform_10, window_bounds = array<i64: 1, 64>}, {pipeline_mode = #tpu.pipeline_mode<synchronous>, transform_indices = @transform_11, window_bounds = array<i64: 64, 32>}, {pipeline_mode = #tpu.pipeline_mode<synchronous>, transform_indices = @transform_12, window_bounds = array<i64: 1, 32>}, {pipeline_mode = #tpu.pipeline_mode<synchronous>, transform_indices = @transform_13, window_bounds = array<i64: 32, 8>}, {pipeline_mode = #tpu.pipeline_mode<synchronous>, transform_indices = @transform_14, window_bounds = array<i64: 32, 8>}, {pipeline_mode = #tpu.pipeline_mode<synchronous>, transform_indices = @transform_15, window_bounds = array<i64: 1, 8>}, {transform_indices = @transform_16, window_bounds = array<i64: 2048, 8>}]} {
    %get3A = arith.constant 0 : index
    %get3A_0 = arith.constant 0 : index
    %get3A_1 = vector.load %arg1[%get3A, %get3A_0] : memref<2048x128xf32, #tpu.memory_space<vmem>>, vector<2048x128xf32>
    %get3A_2 = arith.constant 0 : index
    %get3A_3 = arith.constant 0 : index
    %get3A_4 = vector.load %arg2[%get3A_2, %get3A_3] : memref<2048x128xf32, #tpu.memory_space<vmem>>, vector<2048x128xf32>
    %get3A_5 = arith.constant 0 : index
    %get3A_6 = arith.constant 0 : index
    %get3A_7 = vector.load %arg5[%get3A_5, %get3A_6] : memref<2048x4xf32, #tpu.memory_space<vmem>>, vector<2048x4xf32>
    %slice3A = vector.extract_strided_slice %get3A_7 {offsets = [0, 0], sizes = [2048, 1], strides = [1, 1]} : vector<2048x4xf32> to vector<2048x1xf32>
    %slice3A_8 = vector.extract_strided_slice %get3A_1 {offsets = [0, 0], sizes = [2048, 32], strides = [1, 1]} : vector<2048x128xf32> to vector<2048x32xf32>
    %mul3A = vector.broadcast %slice3A : vector<2048x1xf32> to vector<2048x32xf32>
    %mul3A_9 = arith.mulf %mul3A, %slice3A_8 : vector<2048x32xf32>
    %add3A = arith.constant 0.000000e+00 : f32
    %add3A_10 = vector.broadcast %add3A : f32 to vector<2048x32xf32>
    %add3A_11 = arith.addf %add3A_10, %mul3A_9 : vector<2048x32xf32>
    %get3A_12 = arith.constant 0 : index
    %get3A_13 = arith.constant 0 : index
    %get3A_14 = vector.load %arg5[%get3A_12, %get3A_13] : memref<2048x4xf32, #tpu.memory_space<vmem>>, vector<2048x4xf32>
    %slice3A_15 = vector.extract_strided_slice %get3A_14 {offsets = [0, 1], sizes = [2048, 1], strides = [1, 1]} : vector<2048x4xf32> to vector<2048x1xf32>
    %slice3A_16 = vector.extract_strided_slice %get3A_1 {offsets = [0, 32], sizes = [2048, 32], strides = [1, 1]} : vector<2048x128xf32> to vector<2048x32xf32>
    %mul3A_17 = vector.broadcast %slice3A_15 : vector<2048x1xf32> to vector<2048x32xf32>
    %mul3A_18 = arith.mulf %mul3A_17, %slice3A_16 : vector<2048x32xf32>
    %add3A_19 = arith.addf %add3A_11, %mul3A_18 : vector<2048x32xf32>
    %get3A_20 = arith.constant 0 : index
    %get3A_21 = arith.constant 0 : index
    %get3A_22 = vector.load %arg5[%get3A_20, %get3A_21] : memref<2048x4xf32, #tpu.memory_space<vmem>>, vector<2048x4xf32>
    %slice3A_23 = vector.extract_strided_slice %get3A_22 {offsets = [0, 2], sizes = [2048, 1], strides = [1, 1]} : vector<2048x4xf32> to vector<2048x1xf32>
    %slice3A_24 = vector.extract_strided_slice %get3A_1 {offsets = [0, 64], sizes = [2048, 32], strides = [1, 1]} : vector<2048x128xf32> to vector<2048x32xf32>
    %mul3A_25 = vector.broadcast %slice3A_23 : vector<2048x1xf32> to vector<2048x32xf32>
    %mul3A_26 = arith.mulf %mul3A_25, %slice3A_24 : vector<2048x32xf32>
    %add3A_27 = arith.addf %add3A_19, %mul3A_26 : vector<2048x32xf32>
    %get3A_28 = arith.constant 0 : index
    %get3A_29 = arith.constant 0 : index
    %get3A_30 = vector.load %arg5[%get3A_28, %get3A_29] : memref<2048x4xf32, #tpu.memory_space<vmem>>, vector<2048x4xf32>
    %slice3A_31 = vector.extract_strided_slice %get3A_30 {offsets = [0, 3], sizes = [2048, 1], strides = [1, 1]} : vector<2048x4xf32> to vector<2048x1xf32>
    %slice3A_32 = vector.extract_strided_slice %get3A_1 {offsets = [0, 96], sizes = [2048, 32], strides = [1, 1]} : vector<2048x128xf32> to vector<2048x32xf32>
    %mul3A_33 = vector.broadcast %slice3A_31 : vector<2048x1xf32> to vector<2048x32xf32>
    %mul3A_34 = arith.mulf %mul3A_33, %slice3A_32 : vector<2048x32xf32>
    %add3A_35 = arith.addf %add3A_27, %mul3A_34 : vector<2048x32xf32>
    %get3A_36 = arith.constant 0 : index
    %get3A_37 = arith.constant 0 : index
    %get3A_38 = vector.load %arg6[%get3A_36, %get3A_37] : memref<2048x4xf32, #tpu.memory_space<vmem>>, vector<2048x4xf32>
    %slice3A_39 = vector.extract_strided_slice %get3A_38 {offsets = [0, 0], sizes = [2048, 1], strides = [1, 1]} : vector<2048x4xf32> to vector<2048x1xf32>
    %slice3A_40 = vector.extract_strided_slice %get3A_4 {offsets = [0, 0], sizes = [2048, 32], strides = [1, 1]} : vector<2048x128xf32> to vector<2048x32xf32>
    %mul3A_41 = vector.broadcast %slice3A_39 : vector<2048x1xf32> to vector<2048x32xf32>
    %mul3A_42 = arith.mulf %mul3A_41, %slice3A_40 : vector<2048x32xf32>
    %add3A_43 = arith.constant 0.000000e+00 : f32
    %add3A_44 = vector.broadcast %add3A_43 : f32 to vector<2048x32xf32>
    %add3A_45 = arith.addf %add3A_44, %mul3A_42 : vector<2048x32xf32>
    %get3A_46 = arith.constant 0 : index
    %get3A_47 = arith.constant 0 : index
    %get3A_48 = vector.load %arg6[%get3A_46, %get3A_47] : memref<2048x4xf32, #tpu.memory_space<vmem>>, vector<2048x4xf32>
    %slice3A_49 = vector.extract_strided_slice %get3A_48 {offsets = [0, 1], sizes = [2048, 1], strides = [1, 1]} : vector<2048x4xf32> to vector<2048x1xf32>
    %slice3A_50 = vector.extract_strided_slice %get3A_4 {offsets = [0, 32], sizes = [2048, 32], strides = [1, 1]} : vector<2048x128xf32> to vector<2048x32xf32>
    %mul3A_51 = vector.broadcast %slice3A_49 : vector<2048x1xf32> to vector<2048x32xf32>
    %mul3A_52 = arith.mulf %mul3A_51, %slice3A_50 : vector<2048x32xf32>
    %add3A_53 = arith.addf %add3A_45, %mul3A_52 : vector<2048x32xf32>
    %get3A_54 = arith.constant 0 : index
    %get3A_55 = arith.constant 0 : index
    %get3A_56 = vector.load %arg6[%get3A_54, %get3A_55] : memref<2048x4xf32, #tpu.memory_space<vmem>>, vector<2048x4xf32>
    %slice3A_57 = vector.extract_strided_slice %get3A_56 {offsets = [0, 2], sizes = [2048, 1], strides = [1, 1]} : vector<2048x4xf32> to vector<2048x1xf32>
    %slice3A_58 = vector.extract_strided_slice %get3A_4 {offsets = [0, 64], sizes = [2048, 32], strides = [1, 1]} : vector<2048x128xf32> to vector<2048x32xf32>
    %mul3A_59 = vector.broadcast %slice3A_57 : vector<2048x1xf32> to vector<2048x32xf32>
    %mul3A_60 = arith.mulf %mul3A_59, %slice3A_58 : vector<2048x32xf32>
    %add3A_61 = arith.addf %add3A_53, %mul3A_60 : vector<2048x32xf32>
    %get3A_62 = arith.constant 0 : index
    %get3A_63 = arith.constant 0 : index
    %get3A_64 = vector.load %arg6[%get3A_62, %get3A_63] : memref<2048x4xf32, #tpu.memory_space<vmem>>, vector<2048x4xf32>
    %slice3A_65 = vector.extract_strided_slice %get3A_64 {offsets = [0, 3], sizes = [2048, 1], strides = [1, 1]} : vector<2048x4xf32> to vector<2048x1xf32>
    %slice3A_66 = vector.extract_strided_slice %get3A_4 {offsets = [0, 96], sizes = [2048, 32], strides = [1, 1]} : vector<2048x128xf32> to vector<2048x32xf32>
    %mul3A_67 = vector.broadcast %slice3A_65 : vector<2048x1xf32> to vector<2048x32xf32>
    %mul3A_68 = arith.mulf %mul3A_67, %slice3A_66 : vector<2048x32xf32>
    %add3A_69 = arith.addf %add3A_61, %mul3A_68 : vector<2048x32xf32>
    %mul3A_70 = arith.mulf %add3A_35, %add3A_69 : vector<2048x32xf32>
    %get3A_71 = arith.constant 0 : index
    %get3A_72 = arith.constant 0 : index
    %get3A_73 = vector.load %arg3[%get3A_71, %get3A_72] : memref<2048x128xf32, #tpu.memory_space<vmem>>, vector<2048x128xf32>
    %get3A_74 = arith.constant 0 : index
    %get3A_75 = arith.constant 0 : index
    %get3A_76 = vector.load %arg7[%get3A_74, %get3A_75] : memref<128x128xf32, #tpu.memory_space<vmem>>, vector<128x128xf32>
    %dot_general3A = arith.constant dense<0.000000e+00> : vector<2048x128xf32>
    %dot_general3A_77 = tpu.matmul %get3A_73, %get3A_76, %dot_general3A {dimension_numbers = #tpu.dot_dimension_numbers<[1], [0], [0], [1], [0, 0, 1, 1], [], []>, transpose_lhs_hint = false} : vector<2048x128xf32>, vector<128x128xf32>, vector<2048x128xf32> -> vector<2048x128xf32>
    %get3A_78 = arith.constant 0 : index
    %get3A_79 = arith.constant 0 : index
    %get3A_80 = vector.load %arg4[%get3A_78, %get3A_79] : memref<2048x128xf32, #tpu.memory_space<vmem>>, vector<2048x128xf32>
    %get3A_81 = arith.constant 0 : index
    %get3A_82 = arith.constant 0 : index
    %get3A_83 = vector.load %arg8[%get3A_81, %get3A_82] : memref<128x128xf32, #tpu.memory_space<vmem>>, vector<128x128xf32>
    %dot_general3A_84 = arith.constant dense<0.000000e+00> : vector<2048x128xf32>
    %dot_general3A_85 = tpu.matmul %get3A_80, %get3A_83, %dot_general3A_84 {dimension_numbers = #tpu.dot_dimension_numbers<[1], [0], [0], [1], [0, 0, 1, 1], [], []>, transpose_lhs_hint = false} : vector<2048x128xf32>, vector<128x128xf32>, vector<2048x128xf32> -> vector<2048x128xf32>
    %add3A_86 = arith.addf %dot_general3A_77, %dot_general3A_85 : vector<2048x128xf32>
    %get3A_87 = arith.constant 0 : index
    %get3A_88 = arith.constant 0 : index
    %get3A_89 = vector.load %arg9[%get3A_87, %get3A_88] : memref<1x128xf32, #tpu.memory_space<vmem>>, vector<1x128xf32>
    %add3A_90 = vector.broadcast %get3A_89 : vector<1x128xf32> to vector<2048x128xf32>
    %add3A_91 = arith.addf %add3A_86, %add3A_90 : vector<2048x128xf32>
    %max3A = arith.constant 0.000000e+00 : f32
    %max3A_92 = vector.broadcast %max3A : f32 to vector<2048x128xf32>
    %max3A_93 = arith.maximumf %add3A_91, %max3A_92 : vector<2048x128xf32>
    %get3A_94 = arith.constant 0 : index
    %get3A_95 = arith.constant 0 : index
    %get3A_96 = vector.load %arg10[%get3A_94, %get3A_95] : memref<128x64xf32, #tpu.memory_space<vmem>>, vector<128x64xf32>
    %dot_general3A_97 = arith.constant dense<0.000000e+00> : vector<2048x64xf32>
    %dot_general3A_98 = tpu.matmul %max3A_93, %get3A_96, %dot_general3A_97 {dimension_numbers = #tpu.dot_dimension_numbers<[1], [0], [0], [1], [0, 0, 1, 1], [], []>, transpose_lhs_hint = false} : vector<2048x128xf32>, vector<128x64xf32>, vector<2048x64xf32> -> vector<2048x64xf32>
    %get3A_99 = arith.constant 0 : index
    %get3A_100 = arith.constant 0 : index
    %get3A_101 = vector.load %arg11[%get3A_99, %get3A_100] : memref<1x64xf32, #tpu.memory_space<vmem>>, vector<1x64xf32>
    %add3A_102 = vector.broadcast %get3A_101 : vector<1x64xf32> to vector<2048x64xf32>
    %add3A_103 = arith.addf %dot_general3A_98, %add3A_102 : vector<2048x64xf32>
    %max3A_104 = arith.constant 0.000000e+00 : f32
    %max3A_105 = vector.broadcast %max3A_104 : f32 to vector<2048x64xf32>
    %max3A_106 = arith.maximumf %add3A_103, %max3A_105 : vector<2048x64xf32>
    %get3A_107 = arith.constant 0 : index
    %get3A_108 = arith.constant 0 : index
    %get3A_109 = vector.load %arg12[%get3A_107, %get3A_108] : memref<64x32xf32, #tpu.memory_space<vmem>>, vector<64x32xf32>
    %dot_general3A_110 = arith.constant dense<0.000000e+00> : vector<2048x32xf32>
    %dot_general3A_111 = tpu.matmul %max3A_106, %get3A_109, %dot_general3A_110 {dimension_numbers = #tpu.dot_dimension_numbers<[1], [0], [0], [1], [0, 0, 1, 1], [], []>, transpose_lhs_hint = false} : vector<2048x64xf32>, vector<64x32xf32>, vector<2048x32xf32> -> vector<2048x32xf32>
    %get3A_112 = arith.constant 0 : index
    %get3A_113 = arith.constant 0 : index
    %get3A_114 = vector.load %arg13[%get3A_112, %get3A_113] : memref<1x32xf32, #tpu.memory_space<vmem>>, vector<1x32xf32>
    %add3A_115 = vector.broadcast %get3A_114 : vector<1x32xf32> to vector<2048x32xf32>
    %add3A_116 = arith.addf %dot_general3A_111, %add3A_115 : vector<2048x32xf32>
    %max3A_117 = arith.constant 0.000000e+00 : f32
    %max3A_118 = vector.broadcast %max3A_117 : f32 to vector<2048x32xf32>
    %max3A_119 = arith.maximumf %add3A_116, %max3A_118 : vector<2048x32xf32>
    %get3A_120 = arith.constant 0 : index
    %get3A_121 = arith.constant 0 : index
    %get3A_122 = vector.load %arg14[%get3A_120, %get3A_121] : memref<32x8xf32, #tpu.memory_space<vmem>>, vector<32x8xf32>
    %dot_general3A_123 = arith.constant dense<0.000000e+00> : vector<2048x8xf32>
    %dot_general3A_124 = tpu.matmul %mul3A_70, %get3A_122, %dot_general3A_123 {dimension_numbers = #tpu.dot_dimension_numbers<[1], [0], [0], [1], [0, 0, 1, 1], [], []>, transpose_lhs_hint = false} : vector<2048x32xf32>, vector<32x8xf32>, vector<2048x8xf32> -> vector<2048x8xf32>
    %get3A_125 = arith.constant 0 : index
    %get3A_126 = arith.constant 0 : index
    %get3A_127 = vector.load %arg15[%get3A_125, %get3A_126] : memref<32x8xf32, #tpu.memory_space<vmem>>, vector<32x8xf32>
    %dot_general3A_128 = arith.constant dense<0.000000e+00> : vector<2048x8xf32>
    %dot_general3A_129 = tpu.matmul %max3A_119, %get3A_127, %dot_general3A_128 {dimension_numbers = #tpu.dot_dimension_numbers<[1], [0], [0], [1], [0, 0, 1, 1], [], []>, transpose_lhs_hint = false} : vector<2048x32xf32>, vector<32x8xf32>, vector<2048x8xf32> -> vector<2048x8xf32>
    %add3A_130 = arith.addf %dot_general3A_124, %dot_general3A_129 : vector<2048x8xf32>
    %get3A_131 = arith.constant 0 : index
    %get3A_132 = arith.constant 0 : index
    %get3A_133 = vector.load %arg16[%get3A_131, %get3A_132] : memref<1x8xf32, #tpu.memory_space<vmem>>, vector<1x8xf32>
    %add3A_134 = vector.broadcast %get3A_133 : vector<1x8xf32> to vector<2048x8xf32>
    %add3A_135 = arith.addf %add3A_130, %add3A_134 : vector<2048x8xf32>
    %swap3A = arith.constant 0 : index
    %swap3A_136 = arith.constant 0 : index
    %swap3A_137 = vector.load %arg17[%swap3A, %swap3A_136] : memref<2048x8xf32, #tpu.memory_space<vmem>>, vector<2048x8xf32>
    tpu.vector_store %arg17[%swap3A, %swap3A_136], %add3A_135 {strides = array<i32>} : memref<2048x8xf32, #tpu.memory_space<vmem>>, vector<2048x8xf32>,
    return
  }
  func.func @transform_0(%arg0: i32) -> (i32, i32) {
    %c0_i32 = arith.constant 0 : i32
    %c0_i32_0 = arith.constant 0 : i32
    return %arg0, %c0_i32 : i32, i32
  }
  func.func @transform_1(%arg0: i32) -> (i32, i32) {
    %c0_i32 = arith.constant 0 : i32
    %c0_i32_0 = arith.constant 0 : i32
    return %arg0, %c0_i32 : i32, i32
  }
  func.func @transform_2(%arg0: i32) -> (i32, i32) {
    %c0_i32 = arith.constant 0 : i32
    %c0_i32_0 = arith.constant 0 : i32
    return %arg0, %c0_i32 : i32, i32
  }
  func.func @transform_3(%arg0: i32) -> (i32, i32) {
    %c0_i32 = arith.constant 0 : i32
    %c0_i32_0 = arith.constant 0 : i32
    return %arg0, %c0_i32 : i32, i32
  }
  func.func @transform_4(%arg0: i32) -> (i32, i32) {
    %c0_i32 = arith.constant 0 : i32
    %c0_i32_0 = arith.constant 0 : i32
    return %arg0, %c0_i32 : i32, i32
  }
  func.func @transform_5(%arg0: i32) -> (i32, i32) {
    %c0_i32 = arith.constant 0 : i32
    %c0_i32_0 = arith.constant 0 : i32
    return %arg0, %c0_i32 : i32, i32
  }
  func.func @transform_6(%arg0: i32) -> (i32, i32) {
    %c0_i32 = arith.constant 0 : i32
    %c0_i32_0 = arith.constant 0 : i32
    %c0_i32_1 = arith.constant 0 : i32
    return %c0_i32, %c0_i32_0 : i32, i32
  }
  func.func @transform_7(%arg0: i32) -> (i32, i32) {
    %c0_i32 = arith.constant 0 : i32
    %c0_i32_0 = arith.constant 0 : i32
    %c0_i32_1 = arith.constant 0 : i32
    return %c0_i32, %c0_i32_0 : i32, i32
  }
  func.func @transform_8(%arg0: i32) -> (i32, i32) {
    %c0_i32 = arith.constant 0 : i32
    %c0_i32_0 = arith.constant 0 : i32
    %c0_i32_1 = arith.constant 0 : i32
    return %c0_i32, %c0_i32_0 : i32, i32
  }
  func.func @transform_9(%arg0: i32) -> (i32, i32) {
    %c0_i32 = arith.constant 0 : i32
    %c0_i32_0 = arith.constant 0 : i32
    %c0_i32_1 = arith.constant 0 : i32
    return %c0_i32, %c0_i32_0 : i32, i32
  }
  func.func @transform_10(%arg0: i32) -> (i32, i32) {
    %c0_i32 = arith.constant 0 : i32
    %c0_i32_0 = arith.constant 0 : i32
    %c0_i32_1 = arith.constant 0 : i32
    return %c0_i32, %c0_i32_0 : i32, i32
  }
  func.func @transform_11(%arg0: i32) -> (i32, i32) {
    %c0_i32 = arith.constant 0 : i32
    %c0_i32_0 = arith.constant 0 : i32
    %c0_i32_1 = arith.constant 0 : i32
    return %c0_i32, %c0_i32_0 : i32, i32
  }
  func.func @transform_12(%arg0: i32) -> (i32, i32) {
    %c0_i32 = arith.constant 0 : i32
    %c0_i32_0 = arith.constant 0 : i32
    %c0_i32_1 = arith.constant 0 : i32
    return %c0_i32, %c0_i32_0 : i32, i32
  }
  func.func @transform_13(%arg0: i32) -> (i32, i32) {
    %c0_i32 = arith.constant 0 : i32
    %c0_i32_0 = arith.constant 0 : i32
    %c0_i32_1 = arith.constant 0 : i32
    return %c0_i32, %c0_i32_0 : i32, i32
  }
  func.func @transform_14(%arg0: i32) -> (i32, i32) {
    %c0_i32 = arith.constant 0 : i32
    %c0_i32_0 = arith.constant 0 : i32
    %c0_i32_1 = arith.constant 0 : i32
    return %c0_i32, %c0_i32_0 : i32, i32
  }
  func.func @transform_15(%arg0: i32) -> (i32, i32) {
    %c0_i32 = arith.constant 0 : i32
    %c0_i32_0 = arith.constant 0 : i32
    %c0_i32_1 = arith.constant 0 : i32
    return %c0_i32, %c0_i32_0 : i32, i32
  }
  func.func @transform_16(%arg0: i32) -> (i32, i32) {
    %c0_i32 = arith.constant 0 : i32
    %c0_i32_0 = arith.constant 0 : i32
    return %arg0, %c0_i32 : i32, i32
  }
}

</mosaic_0001>

<sc_bundles>
// kernel: kernel.6.cloned.1.call-start
scs
__scs_entry_jumppad:
0x0: {  	(pc) =	sbr.rel $0x88, $3  }
0x1: {  	(tag) =	ssettag $0x0;
	lr =	simm.s32 $0x1  }
0x2: {  	[smem:$0x3F93] =	sst lr;
	_ =	strace $0xD0000000  }
0x3: {  	_ = 	snop  }
0x4: {  	_ = 	snop  }
0x5: {  	_ = 	snop  }
0x6: {  	_ = 	snop  }
0x7: {  	_ = 	snop  }
__scs_overlays_trampoline_lowered:
0x8: {  	[smem:$0x3FA2] =	sst s0  }
0x9: {  	[smem:$0x3FA3] =	sst s1  }
0xa: {  	[smem:$0x3FA4] =	sst s2  }
0xb: {  	[smem:$0x3FA5] =	sst s3  }
0xc: {  	[smem:$0x3FA6] =	sst s4  }
0xd: {  	[smem:$0x3FA7] =	sst s5  }
0xe: {  	[smem:$0x3FA8] =	sst s6  }
0xf: {  	[smem:$0x3FA9] =	sst s7  }
0x10: {  	[smem:$0x3FAA] =	sst s8  }
0x11: {  	[smem:$0x3FAB] =	sst s9;
	s0 =	simm.s32 @!p0 $0x0  }
0x12: {  	s1 =	sld [smem:$0x3F91];
	s0 =	simm.s32 @p0 $0x1  }
0x13: {  	[smem:$0x3FAC] =	sst s0;
	s0 =	simm.s32 @!p1 $0x0  }
0x14: {  	s2 =	sld [smem:$0x3F90];
	s0 =	simm.s32 @p1 $0x1  }
0x15: {  	[smem:$0x3FAD] =	sst s0;
	s0 =	simm.s32 @!p2 $0x0  }
0x16: {  	s3 =	sld [smem:$0x3FDB];
	s0 =	simm.s32 @p2 $0x1  }
0x17: {  	s4 =	simm.s32 $0x1BF5;
	[smem:$0x3FAF] =	sst s0  }
0x18: {  	s0 =	sld [smem:$0x3F92];
	_ =	swait.ge [sflag:s4], $0x0  }
0x19: {  	s7 =	sld [smem:$0x3F93]  }
0x1a: {  	s8 =	sadd.s32 $0xFFFFE003, lr  }
0x1b: {  	s9 =	sadd.s32 $0xFFFFFEF7, lr;
	s5 =	simm.s32 $0xFFFFFFFF;
	p2 =	slt.u32 s8, $0xFFFFF086  }
0x1c: {  	p1 =	slt.u32 s9, $0xF7A;
	s5 =	simm.s32 @!p2 $0x0  }
0x1d: {  	s5 =	simm.s32 @p1 $0x1;
	p0 =	seq.s32 s7, s2  }
0x1e: {  	s7 =	smul.u32 @!p0 $0xF7A, s2;
	p2 =	seq.s32 @!p0 s5, $0x0  }
0x1f: {  	s9 =	smul.u32 $0xF7A, s1;
	s8 =	simm.s32 @!p0 $0x1BF5;
	p2 =	por !p2, p0  }
0x20: {  	[sflag:s8] =	ssyncset.s32 @!p0 $0xFFFFF086;
	s6 =	sadd.s32 @!p0 s3, s7;
	s7 =	simm.s32 @!p0 $0x108  }
0x21: {  	s3 =	sadd.s32 s3, s9;
	s6 =	sadd.s32 @!p0 $0x88, s6;
	s7 =	simm.s32 @p2 $0x1082  }
0x22: {  	[simem:s7], [sflag:s8] =	dma.local @!p0 [hbm:s6], $0xF7A  }
0x23: {  	s9 =	sor.u32 $0xD0000000, s2;
	s6 =	simm.s32 $0x108;
	_ =	swait.ge @!p0 [sflag:s8], $0x0  }
0x24: {  	s3 =	sadd.s32 $0x88, s3;
	s6 =	simm.s32 @!p1 $0x1082;
	[sflag:s4] =	ssyncset.s32 $0xFFFFF086  }
0x25: {  	[simem:s6], [sflag:s4] =	dma.local [hbm:s3], $0xF7A  }
0x26: {  	[smem:$0x3F93] =	sst s1;
	(tag) =	ssettag s2;
	_ =	strace s9  }
0x27: {  	s1 =	sld [smem:$0x3FA3]  }
0x28: {  	s2 =	sld [smem:$0x3FA4]  }
0x29: {  	s4 =	sld [smem:$0x3FA6]  }
0x2a: {  	p0 =	seq.s32 s5, $0x0;
	s5 =	sld [smem:$0x3FA7]  }
0x2b: {  	s6 =	sld [smem:$0x3FA8]  }
0x2c: {  	s7 =	sld [smem:$0x3FA9]  }
0x2d: {  	s3 =	simm.s32 $0x108;
	s8 =	sld [smem:$0x3FAA]  }
0x2e: {  	s3 =	simm.s32 @!p0 $0x1082;
	s9 =	sld [smem:$0x3FAB]  }
0x2f: {  	lr =	sadd.s32 s0, s3;
	s0 =	sld [smem:$0x3FA2]  }
0x30: {  	s3 =	sld [smem:$0x3FA5]  }
0x31: {  	[smem:$0x3FAE] =	sst s10  }
0x32: {  	s10 =	sld [smem:$0x3FAC];
	_ =	sdelay $0x3  }
0x33: {  	p0 =	seq.s32 s10, $0x1;
	s10 =	sld [smem:$0x3FAE];
	_ =	sdelay $0x3  }
0x34: {  	[smem:$0x3FAE] =	sst s10  }
0x35: {  	s10 =	sld [smem:$0x3FAD];
	_ =	sdelay $0x3  }
0x36: {  	p1 =	seq.s32 s10, $0x1;
	s10 =	sld [smem:$0x3FAE];
	_ =	sdelay $0x3  }
0x37: {  	[smem:$0x3FAE] =	sst s10  }
0x38: {  	s10 =	sld [smem:$0x3FAF]  }
0x39: {  	_ = 	snop;
	(pc) =	sbr.ind lr, $3  }
0x3a: {  	_ = 	snop  }
0x3b: {  	_ = 	snop  }
0x3c: {  	p2 =	seq.s32 s10, $0x1;
	s10 =	sld [smem:$0x3FAE]  }
0x3d: {  	_ =	shalt  }
0x3e: {  	_ =	shalt  }
0x3f: {  	_ =	shalt  }
0x40: {  	_ =	shalt  }
0x41: {  	_ =	shalt  }
0x42: {  	_ =	shalt  }
0x43: {  	_ =	shalt  }
0x44: {  	_ =	shalt  }
0x45: {  	_ =	shalt  }
0x46: {  	_ =	shalt  }
0x47: {  	_ =	shalt  }
0x48: {  	_ =	shalt  }
0x49: {  	_ =	shalt  }
0x4a: {  	_ =	shalt  }
0x4b: {  	_ =	shalt  }
0x4c: {  	_ =	shalt  }
0x4d: {  	_ =	shalt  }
0x4e: {  	_ =	shalt  }
0x4f: {  	_ =	shalt  }
0x50: {  	_ =	shalt  }
0x51: {  	_ =	shalt  }
0x52: {  	_ =	shalt  }
0x53: {  	_ =	shalt  }
0x54: {  	_ =	shalt  }
0x55: {  	_ =	shalt  }
0x56: {  	_ =	shalt  }
0x57: {  	_ =	shalt  }
0x58: {  	_ =	shalt  }
0x59: {  	_ =	shalt  }
0x5a: {  	_ =	shalt  }
0x5b: {  	_ =	shalt  }
0x5c: {  	_ =	shalt  }
0x5d: {  	_ =	shalt  }
0x5e: {  	_ =	shalt  }
0x5f: {  	_ =	shalt  }
0x60: {  	_ =	shalt  }
0x61: {  	_ =	shalt  }
0x62: {  	_ =	shalt  }
0x63: {  	_ =	shalt  }
0x64: {  	_ =	shalt  }
0x65: {  	_ =	shalt  }
0x66: {  	_ =	shalt  }
0x67: {  	_ =	shalt  }
0x68: {  	_ =	shalt  }
0x69: {  	_ =	shalt  }
0x6a: {  	_ =	shalt  }
0x6b: {  	_ =	shalt  }
0x6c: {  	_ =	shalt  }
0x6d: {  	_ =	shalt  }
0x6e: {  	_ =	shalt  }
0x6f: {  	_ =	shalt  }
0x70: {  	_ =	shalt  }
0x71: {  	_ =	shalt  }
0x72: {  	_ =	shalt  }
0x73: {  	_ =	shalt  }
0x74: {  	_ =	shalt  }
0x75: {  	_ =	shalt  }
0x76: {  	_ =	shalt  }
0x77: {  	_ =	shalt  }
0x78: {  	_ =	shalt  }
0x79: {  	_ =	shalt  }
0x7a: {  	_ =	shalt  }
0x7b: {  	_ =	shalt  }
0x7c: {  	_ =	shalt  }
0x7d: {  	_ =	shalt  }
0x7e: {  	_ =	shalt  }
0x7f: {  	_ =	shalt  }
0x80: {  	_ =	shalt  }
0x81: {  	_ =	shalt  }
0x82: {  	_ =	shalt  }
0x83: {  	_ =	shalt  }
0x84: {  	_ =	shalt  }
0x85: {  	_ =	shalt  }
0x86: {  	_ =	shalt  }
0x87: {  	_ =	shalt  }
.Lfunc_end0:
.L_simem_size_0:
called_computation_lowered:
.L_overlay_start_0:
0x88: {  	s2 =	sld [smem:$0x3FD9]  }
0x89: {  	s3 =	sld [smem:$0x3FFE];
	_ =	sdelay $0x1  }
0x8a: {  	s1 =	srdreg.scid  }
0x8b: {  	s0 =	sand.u32 $0x1, s1  }
0x8c: {  	s17 =	sshll.u32 s0, $0xA;
	s2 =	sadd.s32 s3, s2  }
0x8d: {  	s2 =	sadd.s32 s2, s17  }
0x8e: {  	[smem:$0x3FBA] =	sst s2  }
0x8f: {  	_ = 	snop  }
0x90: {  	s18 =	sld [smem:$0x3FC9]  }
0x91: {  	s4 =	sld [smem:$0x3FC8]  }
0x92: {  	s5 =	sld [smem:$0x3FC5]  }
0x93: {  	s6 =	sld [smem:$0x3FC4];
	(tm) =	ssettm $0x1  }
0x94: {  	s19 =	sld [smem:$0x3FFB];
	_ =	sdelay $0x3  }
0x95: {  	_ =	strace s19  }
0x96: {  	s2 =	sld [smem:$0x3FFC];
	_ =	sdelay $0x3  }
0x97: {  	_ =	strace s2  }
0x98: {  	s2 =	sld [smem:$0x3FFD];
	_ =	sdelay $0x3  }
0x99: {  	_ =	strace s2  }
0x9a: {  	_ =	strace $0x8FFFFFFF  }
0x9b: {  	s20 =	sld [smem:$0x3FDB];
	_ =	sdelay $0x1  }
0x9c: {  	s7 =	simm.s32 $_scs_section_size  }
0x9d: {  	s8 =	simm.s32 $_size__tile_overlayer_lowered;
	s9 =	simm.s32 $_tile_overlayer_lowered  }
0x9e: {  	s10 =	simm.s32 $0x1BFF;
	s21 =	sshll.u32 s9, $0x1;
	s7 =	sadd.s32 s7, s20  }
0x9f: {  	s22 =	simm.s32 $0x0;
	s8 =	sshll.u32 s8, $0x1;
	s9 =	sadd.s32 s21, s7  }
0xa0: {  	[timem:s22], [sflag:s10] =	dma.local [hbm:s9], s8  }
0xa1: {  	_ =	swait.ge [sflag:s10], s8  }
0xa2: {  	s8 =	ssub.s32 $0x0, s8;
	[sflag:s10] =	ssyncset.done $0x0  }
0xa3: {  	[sflag:s10] =	ssyncadd.s32 s8;
	_ =	sdelay $0x1  }
0xa4: {  	s23 =	simm.s32 $0x1B8B  }
0xa5: {  	_ =	swait.ge [sflag:s23], $0x1  }
0xa6: {  	[sflag:s23] =	ssyncset.done $0x0  }
0xa7: {  	[sflag:s23] =	ssyncadd.s32 $0xFFFFFFFF  }
0xa8: {  	s8 =	sld [smem:$0x0]  }
0xa9: {  	s9 =	sand.u32 $0xFFFFFFFE, s1  }
0xaa: {  	p0 =	sne.s32 s1, s9  }
0xab: {  	s9 =	sshll.u32 @p0 s9, $0xE  }
0xac: {  	s9 =	sadd.s32 @p0 $0x11B8D, s9;
	s10 =	sshll.u32 @p0 s8, $0x11  }
0xad: {  	s9 =	sor.u32 @p0 s10, s9  }
0xae: {  	[sflag:s9] =	ssyncadd.remote.s32 @p0 $0x1;
	_ =	sdelay $0x1  }
0xaf: {  	s9 =	simm.s32 @p0 $0x1B8D  }
0xb0: {  	_ =	swait.eq @p0 [sflag:s9], $0x1  }
0xb1: {  	[sflag:s9] =	ssyncadd.s32 @p0 $0xFFFFFFFF  }
0xb2: {  	s10 =	sshll.u32 @!p0 s1, $0xE  }
0xb3: {  	s10 =	sor.u32 @!p0 $0x4000, s10;
	s9 =	simm.s32 @!p0 $0x1B8D  }
0xb4: {  	s8 =	sshll.u32 @!p0 s8, $0x11;
	s10 =	sadd.s32 @!p0 $0x11B8D, s10;
	_ =	swait.eq @!p0 [sflag:s9], $0x1  }
0xb5: {  	s8 =	sor.u32 @!p0 s8, s10;
	[sflag:s9] =	ssyncadd.s32 @!p0 $0xFFFFFFFF  }
0xb6: {  	s25 =	simm.s32 $0x1B8E;
	s24 =	sld [smem:$0x3FFE];
	[sflag:s8] =	ssyncadd.remote.s32 @!p0 $0x1  }
0xb7: {  	s26 =	simm.s32 $execute0_lowered;
	[smem:$0x3FD2] =	sst s25  }
0xb8: {  	s9 =	sshll.u32 s26, $0x1;
	_ =	strace $0x80000049;
	[dreg:$0x1] =	wrdreg $0xFFFFFFFF  }
0xb9: {  	s28 =	simm.s32 $_size_execute0_lowered;
	s7 =	sadd.s32 s7, s9;
	[dreg:$0x0] =	wrdreg $0x0  }
0xba: {  	s9 =	sshll.u32 s28, $0x1;
	[dreg:$0x2] =	wrdreg s7  }
0xbb: {  	[dreg:$0x3] =	wrdreg s9  }
0xbc: {  	[dreg:$0x4] =	wrdreg $0xC0  }
0xbd: {  	_ =	task [dreg:s22], $0x5FFFF  }
0xbe: {  	[dreg:$0x1] =	wrdreg $0xFFFFFFFF  }
0xbf: {  	[dreg:$0x0] =	wrdreg $0x60  }
0xc0: {  	[dreg:$0x2] =	wrdreg s18  }
0xc1: {  	[dreg:$0x3] =	wrdreg s4  }
0xc2: {  	[dreg:$0x4] =	wrdreg s5  }
0xc3: {  	[dreg:$0x5] =	wrdreg s6  }
0xc4: {  	[dreg:$0x6] =	wrdreg s24  }
0xc5: {  	[dreg:$0x7] =	wrdreg $0x9  }
0xc6: {  	_ =	task.clear_ibuf [dreg:s22], $0x8FFFF;
	_ =	strace $0x90000049  }
0xc7: {  	s29 =	simm.s32 $0x9;
	_ =	strace $0x8000004B  }
0xc8: {  	_ =	swait.ge [sflag:s29], $0x1  }
0xc9: {  	[sflag:s29] =	ssyncadd.s32 $0xFFFFFFFF  }
0xca: {  	_ =	strace $0x9000004B  }
0xcb: {  	_ =	sfence  }
0xcc: {  	s30 =	sld [smem:$0x0];
	_ =	sdelay $0x2  }
0xcd: {  	s31 =	sshll.u32 s1, $0xD;
	s1 =	sshrl.u32 s1, $0x2  }
0xce: {  	s4 =	sand.u32 $0x4000, s31;
	s1 =	sadd.s32 s1, s30  }
0xcf: {  	s0 =	sor.u32 s4, s0;
	s1 =	sshll.u32 s1, $0x11  }
0xd0: {  	s0 =	sor.u32 s1, s0  }
0xd1: {  	s0 =	sadd.s32 $0x8F2B, s0  }
0xd2: {  	[sflag:s0] =	ssyncadd.remote.s32 $0x1  }
0xd3: {  	_ =	sfence.sel $0xFFFF  }
0xd4: {  	[dreg:$0x0] =	wrdreg $0xFFFFFFFF;
	(pc) =	sbr.abs _section_cstart, $3  }
0xd5: {  	[dreg:$0x1] =	wrdreg $0xFFFFFFFF  }
0xd6: {  	_ =	task.clear_ibuf [dreg:s22], $0x2FFFF;
	_ =	strace $0x9FFFFFFF  }
0xd7: {  	(tm) =	ssettm $0x7FFFFFFF  }
tec
execute0_lowered:
.L_overlay_start_1:
0x0: {  	(tag) =	ssettag $0x1  }
0x1: {  	s5 =	rddreg [dreg:$0x0]  }
0x2: {  	s7 =	rddreg [dreg:$0x1]  }
0x3: {  	s1 =	rddreg [dreg:$0x2];
	s2 =	srdreg.scid  }
0x4: {  	s3 =	rddreg [dreg:$0x3];
	s0 =	stileid.u32;
	s28 =	sand.u32 $0x1, s2  }
0x5: {  	s17 =	rddreg [dreg:$0x4];
	s6 =	sshll.u32 s0, $0xA;
	s8 =	sshll.u32 s28, $0x9  }
0x6: {  	s4 =	simm.s32 $0x0;
	s2 =	rddreg [dreg:$0x5];
	s16 =	sor.u32 s8, s6  }
0x7: {  	[smem:$0x7FF] =	sst s4;
	s8 =	sshrl.u32 s16, $0x3  }
0x8: {  	_ =	strace $0x8000004A;
	s6 =	sadd.s32 s5, s8;
	s5 =	simm.s32 $0x2  }
0x9: {  	[tilespmem:s4], [sflag:$0x2] =	stream.linear.gather [hbm4b:s6+s4], $0x200, $0x38;
	[tilespmem:$0x10400] =	vst v63  }
0xa: {  	_ =	swait.ge [sflag:s5], $0x200  }
0xb: {  	[sflag:s5] =	ssyncset.done $0x0  }
0xc: {  	s7 =	sadd.s32 s7, s8;
	s8 =	simm.s32 $0x200;
	[sflag:s5] =	ssyncadd.s32 $0xFFFFFE00  }
0xd: {  	[tilespmem:s8], [sflag:$0x2] =	stream.linear.gather [hbm4b:s7+s4], $0x200, $0x38;
	[tilespmem:$0x10400] =	vst v63  }
0xe: {  	_ =	swait.ge [sflag:s5], $0x200  }
0xf: {  	[sflag:s5] =	ssyncset.done $0x0  }
0x10: {  	s9 =	simm.s32 $0x80;
	s10 =	simm.s32 $0x400;
	[sflag:s5] =	ssyncadd.s32 $0xFFFFFE00  }
0x11: {  	[tilespmem:s10], [sflag:$0x1] =	stream.indirect.gather [hbm4b:s1+s9], $0x80, s4, s9, $0xb8;
	[tilespmem:$0x10400] =	vst v63  }
0x12: {  	s11 =	simm.s32 $0x8400  }
0x13: {  	[tilespmem:s11], [sflag:$0x1] =	stream.indirect.gather [hbm4b:s3+s9], $0x80, s8, s9, $0xb8;
	[tilespmem:$0x10400] =	vst v63  }
0x14: {  	s12 =	simm.s32 $0x4400  }
0x15: {  	[tilespmem:s12], [sflag:$0x1] =	stream.indirect.gather [hbm4b:s1+s9], $0x80, s9, s9, $0xb8;
	[tilespmem:$0x10400] =	vst v63  }
0x16: {  	s13 =	simm.s32 $0x280;
	s14 =	simm.s32 $0xC400;
	s15 =	simm.s32 $0x1  }
0x17: {  	[tilespmem:s14], [sflag:$0x1] =	stream.indirect.gather [hbm4b:s3+s9], $0x80, s13, s9, $0xb8;
	[tilespmem:$0x10400] =	vst v63  }
0x18: {  	_ =	swait.ge [sflag:s15], $0x4000  }
0x19: {  	s26 =	sadd.s32 $0x834200, s17;
	s30 =	sshll.u32 s16, $0x4;
	[sflag:s15] =	ssyncset.done $0x0  }
0x1a: {  	s16 =	sadd.s32 s26, s30;
	[sflag:s15] =	ssyncadd.s32 $0xFFFFC000  }
0x1b: {  	[hbm4b:s16+s4] =	stream.linear.scatter [tilespmem:s10], [sflag:$0x2], $0x4000, $0x38;
	[tilespmem:$0x10400] =	vst v63  }
0x1c: {  	_ =	swait.ge [sflag:s5], $0x4000  }
0x1d: {  	[sflag:s5] =	ssyncset.done $0x0  }
0x1e: {  	[sflag:s5] =	ssyncadd.s32 $0xFFFFC000  }
0x1f: {  	_ =	swait.ge [sflag:s15], $0x4000  }
0x20: {  	s29 =	sadd.s32 $0x874200, s17;
	[sflag:s15] =	ssyncset.done $0x0  }
0x21: {  	s17 =	sadd.s32 s29, s30;
	[sflag:s15] =	ssyncadd.s32 $0xFFFFC000  }
0x22: {  	[hbm4b:s17+s4] =	stream.linear.scatter [tilespmem:s11], [sflag:$0x2], $0x4000, $0x38;
	[tilespmem:$0x10400] =	vst v63  }
0x23: {  	_ =	swait.ge [sflag:s5], $0x4000  }
0x24: {  	[sflag:s5] =	ssyncset.done $0x0  }
0x25: {  	s18 =	simm.s32 $0x100;
	[sflag:s5] =	ssyncadd.s32 $0xFFFFC000  }
0x26: {  	[tilespmem:s10], [sflag:$0x1] =	stream.indirect.gather [hbm4b:s1+s9], $0x80, s18, s9, $0xb8;
	[tilespmem:$0x10400] =	vst v63  }
0x27: {  	s19 =	simm.s32 $0x300  }
0x28: {  	[tilespmem:s11], [sflag:$0x1] =	stream.indirect.gather [hbm4b:s3+s9], $0x80, s19, s9, $0xb8;
	[tilespmem:$0x10400] =	vst v63  }
0x29: {  	_ =	swait.ge [sflag:s15], $0x4000  }
0x2a: {  	s21 =	sor.u32 $0x800, s30;
	[sflag:s15] =	ssyncset.done $0x0  }
0x2b: {  	s20 =	sadd.s32 s26, s21;
	[sflag:s15] =	ssyncadd.s32 $0xFFFFC000  }
0x2c: {  	[hbm4b:s20+s4] =	stream.linear.scatter [tilespmem:s12], [sflag:$0x2], $0x4000, $0x38;
	[tilespmem:$0x10400] =	vst v63  }
0x2d: {  	_ =	swait.ge [sflag:s5], $0x4000  }
0x2e: {  	[sflag:s5] =	ssyncset.done $0x0  }
0x2f: {  	[sflag:s5] =	ssyncadd.s32 $0xFFFFC000  }
0x30: {  	_ =	swait.ge [sflag:s15], $0x4000  }
0x31: {  	[sflag:s15] =	ssyncset.done $0x0  }
0x32: {  	s21 =	sadd.s32 s29, s21;
	[sflag:s15] =	ssyncadd.s32 $0xFFFFC000  }
0x33: {  	[hbm4b:s21+s4] =	stream.linear.scatter [tilespmem:s14], [sflag:$0x2], $0x4000, $0x38;
	[tilespmem:$0x10400] =	vst v63  }
0x34: {  	_ =	swait.ge [sflag:s5], $0x4000  }
0x35: {  	[sflag:s5] =	ssyncset.done $0x0  }
0x36: {  	s22 =	simm.s32 $0x180;
	[sflag:s5] =	ssyncadd.s32 $0xFFFFC000  }
0x37: {  	[tilespmem:s12], [sflag:$0x1] =	stream.indirect.gather [hbm4b:s1+s9], $0x80, s22, s9, $0xb8;
	[tilespmem:$0x10400] =	vst v63  }
0x38: {  	s23 =	simm.s32 $0x380  }
0x39: {  	[tilespmem:s14], [sflag:$0x1] =	stream.indirect.gather [hbm4b:s3+s9], $0x80, s23, s9, $0xb8;
	[tilespmem:$0x10400] =	vst v63  }
0x3a: {  	_ =	swait.ge [sflag:s15], $0x4000  }
0x3b: {  	s25 =	sor.u32 $0x1000, s30;
	[sflag:s15] =	ssyncset.done $0x0  }
0x3c: {  	s24 =	sadd.s32 s26, s25;
	[sflag:s15] =	ssyncadd.s32 $0xFFFFC000  }
0x3d: {  	[hbm4b:s24+s4] =	stream.linear.scatter [tilespmem:s10], [sflag:$0x2], $0x4000, $0x38;
	[tilespmem:$0x10400] =	vst v63  }
0x3e: {  	_ =	swait.ge [sflag:s5], $0x4000  }
0x3f: {  	[sflag:s5] =	ssyncset.done $0x0  }
0x40: {  	[sflag:s5] =	ssyncadd.s32 $0xFFFFC000  }
0x41: {  	_ =	swait.ge [sflag:s15], $0x4000  }
0x42: {  	[sflag:s15] =	ssyncset.done $0x0  }
0x43: {  	s25 =	sadd.s32 s29, s25;
	[sflag:s15] =	ssyncadd.s32 $0xFFFFC000  }
0x44: {  	[hbm4b:s25+s4] =	stream.linear.scatter [tilespmem:s11], [sflag:$0x2], $0x4000, $0x38;
	[tilespmem:$0x10400] =	vst v63  }
0x45: {  	_ =	swait.ge [sflag:s5], $0x4000  }
0x46: {  	[sflag:s5] =	ssyncset.done $0x0  }
0x47: {  	[sflag:s5] =	ssyncadd.s32 $0xFFFFC000  }
0x48: {  	_ =	swait.ge [sflag:s15], $0x4000  }
0x49: {  	s30 =	sor.u32 $0x1800, s30;
	[sflag:s15] =	ssyncset.done $0x0  }
0x4a: {  	s28 =	ssub.s32 $0x2, s28;
	s26 =	sadd.s32 s26, s30;
	[sflag:s15] =	ssyncadd.s32 $0xFFFFC000  }
0x4b: {  	[hbm4b:s26+s4] =	stream.linear.scatter [tilespmem:s12], [sflag:$0x2], $0x4000, $0x38;
	[tilespmem:$0x10400] =	vst v63  }
0x4c: {  	s31 =	sshrl.u32 s28, $0x1;
	_ =	swait.ge [sflag:s5], $0x4000  }
0x4d: {  	s31 =	ssub.s32 s28, s31;
	[sflag:s5] =	ssyncset.done $0x0  }
0x4e: {  	s28 =	sadd.s32 s29, s30;
	s29 =	smax.u32 s31, $0x1;
	[sflag:s5] =	ssyncadd.s32 $0xFFFFC000  }
0x4f: {  	p0 =	sne.s32 s29, $0x1;
	_ =	swait.ge [sflag:s15], $0x4000  }
.Ltmp0:
0x50: {  	[sflag:s15] =	ssyncset.done $0x0;
	(pc) =	sbr.rel @!p0 .LBB2_2-.Ltmp0, $4  }
0x51: {  	[sflag:s15] =	ssyncadd.s32 $0xFFFFC000  }
0x52: {  	[hbm4b:s28+s4] =	stream.linear.scatter [tilespmem:s14], [sflag:$0x2], $0x4000, $0x38;
	[tilespmem:$0x10400] =	vst v63  }
0x53: {  	_ =	swait.ge [sflag:s5], $0x4000  }
0x54: {  	s29 =	sadd.s32 $0xFFFFFFFF, s29;
	[sflag:s5] =	ssyncset.done $0x0  }
.LBB2_1:
0x55: {  	p0 =	sne.s32 s29, $0x1;
	s29 =	sadd.s32 $0xFFFFFFFF, s29;
	[sflag:s5] =	ssyncadd.s32 $0xFFFFC000  }
0x56: {  	[tilespmem:s4], [sflag:$0x2] =	stream.linear.gather [hbm4b:s6+s4], $0x200, $0x38;
	[tilespmem:$0x10400] =	vst v63  }
0x57: {  	_ =	swait.ge [sflag:s5], $0x200  }
0x58: {  	[sflag:s5] =	ssyncset.done $0x0  }
0x59: {  	[sflag:s5] =	ssyncadd.s32 $0xFFFFFE00  }
0x5a: {  	[tilespmem:s8], [sflag:$0x2] =	stream.linear.gather [hbm4b:s7+s4], $0x200, $0x38;
	[tilespmem:$0x10400] =	vst v63  }
0x5b: {  	_ =	swait.ge [sflag:s5], $0x200  }
0x5c: {  	[sflag:s5] =	ssyncset.done $0x0  }
0x5d: {  	[sflag:s5] =	ssyncadd.s32 $0xFFFFFE00  }
0x5e: {  	[tilespmem:s10], [sflag:$0x1] =	stream.indirect.gather [hbm4b:s1+s9], $0x80, s4, s9, $0xb8;
	[tilespmem:$0x10400] =	vst v63  }
0x5f: {  	_ = 	snop  }
0x60: {  	[tilespmem:s11], [sflag:$0x1] =	stream.indirect.gather [hbm4b:s3+s9], $0x80, s8, s9, $0xb8;
	[tilespmem:$0x10400] =	vst v63  }
0x61: {  	_ = 	snop  }
0x62: {  	[tilespmem:s12], [sflag:$0x1] =	stream.indirect.gather [hbm4b:s1+s9], $0x80, s9, s9, $0xb8;
	[tilespmem:$0x10400] =	vst v63  }
0x63: {  	_ = 	snop  }
0x64: {  	[tilespmem:s14], [sflag:$0x1] =	stream.indirect.gather [hbm4b:s3+s9], $0x80, s13, s9, $0xb8;
	[tilespmem:$0x10400] =	vst v63  }
0x65: {  	_ =	swait.ge [sflag:s15], $0x4000  }
0x66: {  	[sflag:s15] =	ssyncset.done $0x0  }
0x67: {  	[sflag:s15] =	ssyncadd.s32 $0xFFFFC000  }
0x68: {  	[hbm4b:s16+s4] =	stream.linear.scatter [tilespmem:s10], [sflag:$0x2], $0x4000, $0x38;
	[tilespmem:$0x10400] =	vst v63  }
0x69: {  	_ =	swait.ge [sflag:s5], $0x4000  }
0x6a: {  	[sflag:s5] =	ssyncset.done $0x0  }
0x6b: {  	[sflag:s5] =	ssyncadd.s32 $0xFFFFC000  }
0x6c: {  	_ =	swait.ge [sflag:s15], $0x4000  }
0x6d: {  	[sflag:s15] =	ssyncset.done $0x0  }
0x6e: {  	[sflag:s15] =	ssyncadd.s32 $0xFFFFC000  }
0x6f: {  	[hbm4b:s17+s4] =	stream.linear.scatter [tilespmem:s11], [sflag:$0x2], $0x4000, $0x38;
	[tilespmem:$0x10400] =	vst v63  }
0x70: {  	_ =	swait.ge [sflag:s5], $0x4000  }
0x71: {  	[sflag:s5] =	ssyncset.done $0x0  }
0x72: {  	[sflag:s5] =	ssyncadd.s32 $0xFFFFC000  }
0x73: {  	[tilespmem:s10], [sflag:$0x1] =	stream.indirect.gather [hbm4b:s1+s9], $0x80, s18, s9, $0xb8;
	[tilespmem:$0x10400] =	vst v63  }
0x74: {  	_ = 	snop  }
0x75: {  	[tilespmem:s11], [sflag:$0x1] =	stream.indirect.gather [hbm4b:s3+s9], $0x80, s19, s9, $0xb8;
	[tilespmem:$0x10400] =	vst v63  }
0x76: {  	_ =	swait.ge [sflag:s15], $0x4000  }
0x77: {  	[sflag:s15] =	ssyncset.done $0x0  }
0x78: {  	[sflag:s15] =	ssyncadd.s32 $0xFFFFC000  }
0x79: {  	[hbm4b:s20+s4] =	stream.linear.scatter [tilespmem:s12], [sflag:$0x2], $0x4000, $0x38;
	[tilespmem:$0x10400] =	vst v63  }
0x7a: {  	_ =	swait.ge [sflag:s5], $0x4000  }
0x7b: {  	[sflag:s5] =	ssyncset.done $0x0  }
0x7c: {  	[sflag:s5] =	ssyncadd.s32 $0xFFFFC000  }
0x7d: {  	_ =	swait.ge [sflag:s15], $0x4000  }
0x7e: {  	[sflag:s15] =	ssyncset.done $0x0  }
0x7f: {  	[sflag:s15] =	ssyncadd.s32 $0xFFFFC000  }
0x80: {  	[hbm4b:s21+s4] =	stream.linear.scatter [tilespmem:s14], [sflag:$0x2], $0x4000, $0x38;
	[tilespmem:$0x10400] =	vst v63  }
0x81: {  	_ =	swait.ge [sflag:s5], $0x4000  }
0x82: {  	[sflag:s5] =	ssyncset.done $0x0  }
0x83: {  	[sflag:s5] =	ssyncadd.s32 $0xFFFFC000  }
0x84: {  	[tilespmem:s12], [sflag:$0x1] =	stream.indirect.gather [hbm4b:s1+s9], $0x80, s22, s9, $0xb8;
	[tilespmem:$0x10400] =	vst v63  }
0x85: {  	_ = 	snop  }
0x86: {  	[tilespmem:s14], [sflag:$0x1] =	stream.indirect.gather [hbm4b:s3+s9], $0x80, s23, s9, $0xb8;
	[tilespmem:$0x10400] =	vst v63  }
0x87: {  	_ =	swait.ge [sflag:s15], $0x4000  }
0x88: {  	[sflag:s15] =	ssyncset.done $0x0  }
0x89: {  	[sflag:s15] =	ssyncadd.s32 $0xFFFFC000  }
0x8a: {  	[hbm4b:s24+s4] =	stream.linear.scatter [tilespmem:s10], [sflag:$0x2], $0x4000, $0x38;
	[tilespmem:$0x10400] =	vst v63  }
0x8b: {  	_ =	swait.ge [sflag:s5], $0x4000  }
0x8c: {  	[sflag:s5] =	ssyncset.done $0x0  }
0x8d: {  	[sflag:s5] =	ssyncadd.s32 $0xFFFFC000  }
0x8e: {  	_ =	swait.ge [sflag:s15], $0x4000  }
0x8f: {  	[sflag:s15] =	ssyncset.done $0x0  }
0x90: {  	[sflag:s15] =	ssyncadd.s32 $0xFFFFC000  }
0x91: {  	[hbm4b:s25+s4] =	stream.linear.scatter [tilespmem:s11], [sflag:$0x2], $0x4000, $0x38;
	[tilespmem:$0x10400] =	vst v63  }
0x92: {  	_ =	swait.ge [sflag:s5], $0x4000  }
0x93: {  	[sflag:s5] =	ssyncset.done $0x0  }
0x94: {  	[sflag:s5] =	ssyncadd.s32 $0xFFFFC000  }
0x95: {  	_ =	swait.ge [sflag:s15], $0x4000  }
0x96: {  	[sflag:s15] =	ssyncset.done $0x0  }
0x97: {  	[sflag:s15] =	ssyncadd.s32 $0xFFFFC000  }
0x98: {  	[hbm4b:s26+s4] =	stream.linear.scatter [tilespmem:s12], [sflag:$0x2], $0x4000, $0x38;
	[tilespmem:$0x10400] =	vst v63  }
0x99: {  	_ =	swait.ge [sflag:s5], $0x4000  }
0x9a: {  	[sflag:s5] =	ssyncset.done $0x0  }
0x9b: {  	[sflag:s5] =	ssyncadd.s32 $0xFFFFC000  }
0x9c: {  	_ =	swait.ge [sflag:s15], $0x4000  }
.Ltmp1:
0x9d: {  	[sflag:s15] =	ssyncset.done $0x0;
	(pc) =	sbr.rel @p0 .LBB2_1-.Ltmp1, $4  }
0x9e: {  	[sflag:s15] =	ssyncadd.s32 $0xFFFFC000  }
0x9f: {  	[hbm4b:s28+s4] =	stream.linear.scatter [tilespmem:s14], [sflag:$0x2], $0x4000, $0x38;
	[tilespmem:$0x10400] =	vst v63  }
0xa0: {  	_ =	swait.ge [sflag:s5], $0x4000  }
0xa1: {  	[sflag:s5] =	ssyncset.done $0x0  }
.LBB2_2:
0xa2: {  	[sflag:s5] =	ssyncadd.s32 $0xFFFFC000  }
0xa3: {  	_ =	sfence.sel $0x180000  }
0xa4: {  	[bflag:$0x0] =	sbarrier.arrive $0xFFFF  }
0xa5: {  	p0 =	sne.s32 s0, $0x0;
	_ =	strace $0x9000004A  }
0xa6: {  	s0 =	sadd.s32 @!p0 $0x100000, s2;
	[bflag:$0x2] =	sbarrier.arrive $0xFFFF  }
0xa7: {  	[sflag:s0] =	ssyncadd.tile.s32 @!p0 $0x1;
	_ =	shalt  }
.Lfunc_end2:
_tile_overlayer_lowered:
.L_overlay_start_2:
0xa8: {  	(tag) =	ssettag $0x2  }
0xa9: {  	s0 =	rddreg [dreg:$0x0];
	s2 =	stileid.u32  }
0xaa: {  	s1 =	rddreg [dreg:$0x1];
	p0 =	sne.s32 s2, $0x0  }
0xab: {  	s3 =	rddreg [dreg:$0x2];
	[bflag:$0x3] =	sbarrier.arrive $0xFFFF;
	s2 =	simm.s32 @!p0 $0x1C02  }
0xac: {  	[timem:s3], [sflag:s2] =	dma.local @!p0 [hbm:s0], s1  }
0xad: {  	s0 =	simm.s32 @!p0 $0x2  }
0xae: {  	_ =	swait.ge @!p0 [sflag:s0], s1  }
0xaf: {  	s1 =	ssub.s32 @!p0 $0x0, s1;
	[sflag:s0] =	ssyncset.done @!p0 $0x0  }
0xb0: {  	[sflag:s0] =	ssyncadd.s32 @!p0 s1  }
0xb1: {  	[bflag:$0x3] =	sbarrier.arrive $0xFFFF  }
0xb2: {  	_ =	shalt  }

// kernel: kernel.9.cloned.1.call-start
scs
__scs_entry_jumppad:
0x0: {  	(pc) =	sbr.rel $0x88, $3  }
0x1: {  	(tag) =	ssettag $0x0;
	lr =	simm.s32 $0x1  }
0x2: {  	[smem:$0x3F93] =	sst lr;
	_ =	strace $0xD0000000  }
0x3: {  	_ = 	snop  }
0x4: {  	_ = 	snop  }
0x5: {  	_ = 	snop  }
0x6: {  	_ = 	snop  }
0x7: {  	_ = 	snop  }
__scs_overlays_trampoline_lowered:
0x8: {  	[smem:$0x3FA2] =	sst s0  }
0x9: {  	[smem:$0x3FA3] =	sst s1  }
0xa: {  	[smem:$0x3FA4] =	sst s2  }
0xb: {  	[smem:$0x3FA5] =	sst s3  }
0xc: {  	[smem:$0x3FA6] =	sst s4  }
0xd: {  	[smem:$0x3FA7] =	sst s5  }
0xe: {  	[smem:$0x3FA8] =	sst s6  }
0xf: {  	[smem:$0x3FA9] =	sst s7  }
0x10: {  	[smem:$0x3FAA] =	sst s8  }
0x11: {  	[smem:$0x3FAB] =	sst s9;
	s0 =	simm.s32 @!p0 $0x0  }
0x12: {  	s1 =	sld [smem:$0x3F91];
	s0 =	simm.s32 @p0 $0x1  }
0x13: {  	[smem:$0x3FAC] =	sst s0;
	s0 =	simm.s32 @!p1 $0x0  }
0x14: {  	s2 =	sld [smem:$0x3F90];
	s0 =	simm.s32 @p1 $0x1  }
0x15: {  	[smem:$0x3FAD] =	sst s0;
	s0 =	simm.s32 @!p2 $0x0  }
0x16: {  	s3 =	sld [smem:$0x3FDB];
	s0 =	simm.s32 @p2 $0x1  }
0x17: {  	s4 =	simm.s32 $0x1BF5;
	[smem:$0x3FAF] =	sst s0  }
0x18: {  	s0 =	sld [smem:$0x3F92];
	_ =	swait.ge [sflag:s4], $0x0  }
0x19: {  	s7 =	sld [smem:$0x3F93]  }
0x1a: {  	s8 =	sadd.s32 $0xFFFFE003, lr  }
0x1b: {  	s9 =	sadd.s32 $0xFFFFFEF7, lr;
	s5 =	simm.s32 $0xFFFFFFFF;
	p2 =	slt.u32 s8, $0xFFFFF086  }
0x1c: {  	p1 =	slt.u32 s9, $0xF7A;
	s5 =	simm.s32 @!p2 $0x0  }
0x1d: {  	s5 =	simm.s32 @p1 $0x1;
	p0 =	seq.s32 s7, s2  }
0x1e: {  	s7 =	smul.u32 @!p0 $0xF7A, s2;
	p2 =	seq.s32 @!p0 s5, $0x0  }
0x1f: {  	s9 =	smul.u32 $0xF7A, s1;
	s8 =	simm.s32 @!p0 $0x1BF5;
	p2 =	por !p2, p0  }
0x20: {  	[sflag:s8] =	ssyncset.s32 @!p0 $0xFFFFF086;
	s6 =	sadd.s32 @!p0 s3, s7;
	s7 =	simm.s32 @!p0 $0x108  }
0x21: {  	s3 =	sadd.s32 s3, s9;
	s6 =	sadd.s32 @!p0 $0x88, s6;
	s7 =	simm.s32 @p2 $0x1082  }
0x22: {  	[simem:s7], [sflag:s8] =	dma.local @!p0 [hbm:s6], $0xF7A  }
0x23: {  	s9 =	sor.u32 $0xD0000000, s2;
	s6 =	simm.s32 $0x108;
	_ =	swait.ge @!p0 [sflag:s8], $0x0  }
0x24: {  	s3 =	sadd.s32 $0x88, s3;
	s6 =	simm.s32 @!p1 $0x1082;
	[sflag:s4] =	ssyncset.s32 $0xFFFFF086  }
0x25: {  	[simem:s6], [sflag:s4] =	dma.local [hbm:s3], $0xF7A  }
0x26: {  	[smem:$0x3F93] =	sst s1;
	(tag) =	ssettag s2;
	_ =	strace s9  }
0x27: {  	s1 =	sld [smem:$0x3FA3]  }
0x28: {  	s2 =	sld [smem:$0x3FA4]  }
0x29: {  	s4 =	sld [smem:$0x3FA6]  }
0x2a: {  	p0 =	seq.s32 s5, $0x0;
	s5 =	sld [smem:$0x3FA7]  }
0x2b: {  	s6 =	sld [smem:$0x3FA8]  }
0x2c: {  	s7 =	sld [smem:$0x3FA9]  }
0x2d: {  	s3 =	simm.s32 $0x108;
	s8 =	sld [smem:$0x3FAA]  }
0x2e: {  	s3 =	simm.s32 @!p0 $0x1082;
	s9 =	sld [smem:$0x3FAB]  }
0x2f: {  	lr =	sadd.s32 s0, s3;
	s0 =	sld [smem:$0x3FA2]  }
0x30: {  	s3 =	sld [smem:$0x3FA5]  }
0x31: {  	[smem:$0x3FAE] =	sst s10  }
0x32: {  	s10 =	sld [smem:$0x3FAC];
	_ =	sdelay $0x3  }
0x33: {  	p0 =	seq.s32 s10, $0x1;
	s10 =	sld [smem:$0x3FAE];
	_ =	sdelay $0x3  }
0x34: {  	[smem:$0x3FAE] =	sst s10  }
0x35: {  	s10 =	sld [smem:$0x3FAD];
	_ =	sdelay $0x3  }
0x36: {  	p1 =	seq.s32 s10, $0x1;
	s10 =	sld [smem:$0x3FAE];
	_ =	sdelay $0x3  }
0x37: {  	[smem:$0x3FAE] =	sst s10  }
0x38: {  	s10 =	sld [smem:$0x3FAF]  }
0x39: {  	_ = 	snop;
	(pc) =	sbr.ind lr, $3  }
0x3a: {  	_ = 	snop  }
0x3b: {  	_ = 	snop  }
0x3c: {  	p2 =	seq.s32 s10, $0x1;
	s10 =	sld [smem:$0x3FAE]  }
0x3d: {  	_ =	shalt  }
0x3e: {  	_ =	shalt  }
0x3f: {  	_ =	shalt  }
0x40: {  	_ =	shalt  }
0x41: {  	_ =	shalt  }
0x42: {  	_ =	shalt  }
0x43: {  	_ =	shalt  }
0x44: {  	_ =	shalt  }
0x45: {  	_ =	shalt  }
0x46: {  	_ =	shalt  }
0x47: {  	_ =	shalt  }
0x48: {  	_ =	shalt  }
0x49: {  	_ =	shalt  }
0x4a: {  	_ =	shalt  }
0x4b: {  	_ =	shalt  }
0x4c: {  	_ =	shalt  }
0x4d: {  	_ =	shalt  }
0x4e: {  	_ =	shalt  }
0x4f: {  	_ =	shalt  }
0x50: {  	_ =	shalt  }
0x51: {  	_ =	shalt  }
0x52: {  	_ =	shalt  }
0x53: {  	_ =	shalt  }
0x54: {  	_ =	shalt  }
0x55: {  	_ =	shalt  }
0x56: {  	_ =	shalt  }
0x57: {  	_ =	shalt  }
0x58: {  	_ =	shalt  }
0x59: {  	_ =	shalt  }
0x5a: {  	_ =	shalt  }
0x5b: {  	_ =	shalt  }
0x5c: {  	_ =	shalt  }
0x5d: {  	_ =	shalt  }
0x5e: {  	_ =	shalt  }
0x5f: {  	_ =	shalt  }
0x60: {  	_ =	shalt  }
0x61: {  	_ =	shalt  }
0x62: {  	_ =	shalt  }
0x63: {  	_ =	shalt  }
0x64: {  	_ =	shalt  }
0x65: {  	_ =	shalt  }
0x66: {  	_ =	shalt  }
0x67: {  	_ =	shalt  }
0x68: {  	_ =	shalt  }
0x69: {  	_ =	shalt  }
0x6a: {  	_ =	shalt  }
0x6b: {  	_ =	shalt  }
0x6c: {  	_ =	shalt  }
0x6d: {  	_ =	shalt  }
0x6e: {  	_ =	shalt  }
0x6f: {  	_ =	shalt  }
0x70: {  	_ =	shalt  }
0x71: {  	_ =	shalt  }
0x72: {  	_ =	shalt  }
0x73: {  	_ =	shalt  }
0x74: {  	_ =	shalt  }
0x75: {  	_ =	shalt  }
0x76: {  	_ =	shalt  }
0x77: {  	_ =	shalt  }
0x78: {  	_ =	shalt  }
0x79: {  	_ =	shalt  }
0x7a: {  	_ =	shalt  }
0x7b: {  	_ =	shalt  }
0x7c: {  	_ =	shalt  }
0x7d: {  	_ =	shalt  }
0x7e: {  	_ =	shalt  }
0x7f: {  	_ =	shalt  }
0x80: {  	_ =	shalt  }
0x81: {  	_ =	shalt  }
0x82: {  	_ =	shalt  }
0x83: {  	_ =	shalt  }
0x84: {  	_ =	shalt  }
0x85: {  	_ =	shalt  }
0x86: {  	_ =	shalt  }
0x87: {  	_ =	shalt  }
.Lfunc_end0:
.L_simem_size_0:
called_computation.1_lowered:
.L_overlay_start_0:
0x88: {  	s2 =	sld [smem:$0x3FD9]  }
0x89: {  	s3 =	sld [smem:$0x3FFE];
	_ =	sdelay $0x1  }
0x8a: {  	s1 =	srdreg.scid  }
0x8b: {  	s0 =	sand.u32 $0x1, s1  }
0x8c: {  	s16 =	sshll.u32 s0, $0xA;
	s2 =	sadd.s32 s3, s2  }
0x8d: {  	s2 =	sadd.s32 s2, s16  }
0x8e: {  	[smem:$0x3FBA] =	sst s2  }
0x8f: {  	_ = 	snop  }
0x90: {  	(tm) =	ssettm $0x1  }
0x91: {  	s17 =	sld [smem:$0x3FFB];
	_ =	sdelay $0x3  }
0x92: {  	_ =	strace s17  }
0x93: {  	s2 =	sld [smem:$0x3FFC];
	_ =	sdelay $0x3  }
0x94: {  	_ =	strace s2  }
0x95: {  	s2 =	sld [smem:$0x3FFD];
	_ =	sdelay $0x3  }
0x96: {  	_ =	strace s2  }
0x97: {  	_ =	strace $0x8FFFFFFF  }
0x98: {  	s18 =	sld [smem:$0x3FDB];
	_ =	sdelay $0x1  }
0x99: {  	s19 =	simm.s32 $_scs_section_size  }
0x9a: {  	s4 =	simm.s32 $_size__tile_overlayer_lowered;
	s5 =	simm.s32 $_tile_overlayer_lowered  }
0x9b: {  	s22 =	simm.s32 $0x1BFF;
	s21 =	sshll.u32 s5, $0x1;
	s2 =	sadd.s32 s19, s18  }
0x9c: {  	s6 =	simm.s32 $0x0;
	s20 =	sshll.u32 s4, $0x1;
	s4 =	sadd.s32 s21, s2  }
0x9d: {  	[timem:s6], [sflag:s22] =	dma.local [hbm:s4], s20  }
0x9e: {  	_ =	swait.ge [sflag:s22], s20  }
0x9f: {  	s3 =	ssub.s32 $0x0, s20;
	[sflag:s22] =	ssyncset.done $0x0  }
0xa0: {  	[sflag:s22] =	ssyncadd.s32 s3;
	_ =	sdelay $0x1  }
0xa1: {  	s23 =	simm.s32 $0x1B8B  }
0xa2: {  	_ =	swait.ge [sflag:s23], $0x1  }
0xa3: {  	[sflag:s23] =	ssyncset.done $0x0  }
0xa4: {  	s25 =	simm.s32 $0x1B8E;
	s24 =	sld [smem:$0x3FFE];
	[sflag:s23] =	ssyncadd.s32 $0xFFFFFFFF  }
0xa5: {  	s26 =	simm.s32 $execute0_lowered;
	[smem:$0x3FD2] =	sst s25  }
0xa6: {  	s4 =	sshll.u32 s26, $0x1;
	_ =	strace $0x80000046;
	[dreg:$0x1] =	wrdreg $0xFFFFFFFF  }
0xa7: {  	s28 =	simm.s32 $_size_execute0_lowered;
	s2 =	sadd.s32 s2, s4;
	[dreg:$0x0] =	wrdreg $0x0  }
0xa8: {  	s4 =	sshll.u32 s28, $0x1;
	[dreg:$0x2] =	wrdreg s2  }
0xa9: {  	[dreg:$0x3] =	wrdreg s4  }
0xaa: {  	[dreg:$0x4] =	wrdreg $0xC0  }
0xab: {  	_ =	task [dreg:s6], $0x5FFFF  }
0xac: {  	[dreg:$0x1] =	wrdreg $0xFFFFFFFF  }
0xad: {  	[dreg:$0x0] =	wrdreg $0x60  }
0xae: {  	[dreg:$0x2] =	wrdreg s24  }
0xaf: {  	[dreg:$0x3] =	wrdreg $0xA  }
0xb0: {  	_ =	task.clear_ibuf [dreg:s6], $0x4FFFF;
	_ =	strace $0x90000046  }
0xb1: {  	s29 =	simm.s32 $0xA;
	_ =	strace $0x80000048  }
0xb2: {  	_ =	swait.ge [sflag:s29], $0x1  }
0xb3: {  	[sflag:s29] =	ssyncadd.s32 $0xFFFFFFFF  }
0xb4: {  	_ =	strace $0x90000048  }
0xb5: {  	_ =	sfence  }
0xb6: {  	s30 =	sld [smem:$0x0];
	_ =	sdelay $0x2  }
0xb7: {  	s31 =	sshll.u32 s1, $0xD;
	s1 =	sshrl.u32 s1, $0x2  }
0xb8: {  	s3 =	sand.u32 $0x4000, s31;
	s1 =	sadd.s32 s1, s30  }
0xb9: {  	s0 =	sor.u32 s3, s0;
	s1 =	sshll.u32 s1, $0x11  }
0xba: {  	s0 =	sor.u32 s1, s0  }
0xbb: {  	s0 =	sadd.s32 $0x8F2B, s0  }
0xbc: {  	[sflag:s0] =	ssyncadd.remote.s32 $0x1  }
0xbd: {  	_ =	sfence.sel $0xFFFF  }
0xbe: {  	[dreg:$0x0] =	wrdreg $0xFFFFFFFF;
	(pc) =	sbr.abs _section_cstart, $3  }
0xbf: {  	[dreg:$0x1] =	wrdreg $0xFFFFFFFF  }
0xc0: {  	_ =	task.clear_ibuf [dreg:s6], $0x2FFFF;
	_ =	strace $0x9FFFFFFF  }
0xc1: {  	(tm) =	ssettm $0x7FFFFFFF  }
tec
execute0_lowered:
.L_overlay_start_1:
0x0: {  	(tag) =	ssettag $0x1  }
0x1: {  	s1 =	srdreg.scid  }
0x2: {  	s0 =	stileid.u32;
	s28 =	sand.u32 $0x1, s1  }
0x3: {  	s31 =	sshll.u32 s0, $0xA;
	s2 =	sshll.u32 s28, $0x9  }
0x4: {  	s17 =	rddreg [dreg:$0x0];
	s16 =	sor.u32 s2, s31  }
0x5: {  	s1 =	rddreg [dreg:$0x1];
	s2 =	simm.s32 $0x0;
	s3 =	sshrl.u32 s16, $0x3  }
0x6: {  	[smem:$0x7FF] =	sst s2;
	s5 =	sadd.s32 s3, s17  }
0x7: {  	_ =	strace $0x80000047;
	s3 =	simm.s32 $0x2;
	s4 =	sadd.s32 $0x2A00, s5  }
0x8: {  	[tilespmem:s2], [sflag:$0x2] =	stream.linear.gather [hbm4b:s4+s2], $0x200, $0x38;
	[tilespmem:$0x10400] =	vst v63  }
0x9: {  	_ =	swait.ge [sflag:s3], $0x200  }
0xa: {  	[sflag:s3] =	ssyncset.done $0x0  }
0xb: {  	s6 =	simm.s32 $0x200;
	s5 =	sadd.s32 $0x3A00, s5;
	[sflag:s3] =	ssyncadd.s32 $0xFFFFFE00  }
0xc: {  	[tilespmem:s6], [sflag:$0x2] =	stream.linear.gather [hbm4b:s5+s2], $0x200, $0x38;
	[tilespmem:$0x10400] =	vst v63  }
0xd: {  	_ =	swait.ge [sflag:s3], $0x200  }
0xe: {  	s8 =	simm.s32 $0x80;
	[sflag:s3] =	ssyncset.done $0x0  }
0xf: {  	s9 =	simm.s32 $0x400;
	s7 =	sadd.s32 $0x4200, s17;
	[sflag:s3] =	ssyncadd.s32 $0xFFFFFE00  }
0x10: {  	[tilespmem:s9], [sflag:$0x1] =	stream.indirect.gather [hbm4b:s7+s8], $0x80, s2, s8, $0xb8;
	[tilespmem:$0x10400] =	vst v63  }
0x11: {  	s11 =	simm.s32 $0x8400;
	s10 =	sadd.s32 $0x3DC200, s17  }
0x12: {  	[tilespmem:s11], [sflag:$0x1] =	stream.indirect.gather [hbm4b:s10+s8], $0x80, s6, s8, $0xb8;
	[tilespmem:$0x10400] =	vst v63  }
0x13: {  	s12 =	simm.s32 $0x4400  }
0x14: {  	[tilespmem:s12], [sflag:$0x1] =	stream.indirect.gather [hbm4b:s7+s8], $0x80, s8, s8, $0xb8;
	[tilespmem:$0x10400] =	vst v63  }
0x15: {  	s13 =	simm.s32 $0x280;
	s14 =	simm.s32 $0xC400;
	s15 =	simm.s32 $0x1  }
0x16: {  	[tilespmem:s14], [sflag:$0x1] =	stream.indirect.gather [hbm4b:s10+s8], $0x80, s13, s8, $0xb8;
	[tilespmem:$0x10400] =	vst v63  }
0x17: {  	_ =	swait.ge [sflag:s15], $0x4000  }
0x18: {  	s26 =	sadd.s32 $0x7B4200, s17;
	s30 =	sshll.u32 s16, $0x4;
	[sflag:s15] =	ssyncset.done $0x0  }
0x19: {  	s16 =	sadd.s32 s26, s30;
	[sflag:s15] =	ssyncadd.s32 $0xFFFFC000  }
0x1a: {  	[hbm4b:s16+s2] =	stream.linear.scatter [tilespmem:s9], [sflag:$0x2], $0x4000, $0x38;
	[tilespmem:$0x10400] =	vst v63  }
0x1b: {  	_ =	swait.ge [sflag:s3], $0x4000  }
0x1c: {  	[sflag:s3] =	ssyncset.done $0x0  }
0x1d: {  	[sflag:s3] =	ssyncadd.s32 $0xFFFFC000  }
0x1e: {  	_ =	swait.ge [sflag:s15], $0x4000  }
0x1f: {  	s29 =	sadd.s32 $0x7F4200, s17;
	[sflag:s15] =	ssyncset.done $0x0  }
0x20: {  	s17 =	sadd.s32 s29, s30;
	[sflag:s15] =	ssyncadd.s32 $0xFFFFC000  }
0x21: {  	[hbm4b:s17+s2] =	stream.linear.scatter [tilespmem:s11], [sflag:$0x2], $0x4000, $0x38;
	[tilespmem:$0x10400] =	vst v63  }
0x22: {  	_ =	swait.ge [sflag:s3], $0x4000  }
0x23: {  	[sflag:s3] =	ssyncset.done $0x0  }
0x24: {  	s18 =	simm.s32 $0x100;
	[sflag:s3] =	ssyncadd.s32 $0xFFFFC000  }
0x25: {  	[tilespmem:s9], [sflag:$0x1] =	stream.indirect.gather [hbm4b:s7+s8], $0x80, s18, s8, $0xb8;
	[tilespmem:$0x10400] =	vst v63  }
0x26: {  	s19 =	simm.s32 $0x300  }
0x27: {  	[tilespmem:s11], [sflag:$0x1] =	stream.indirect.gather [hbm4b:s10+s8], $0x80, s19, s8, $0xb8;
	[tilespmem:$0x10400] =	vst v63  }
0x28: {  	_ =	swait.ge [sflag:s15], $0x4000  }
0x29: {  	s21 =	sor.u32 $0x800, s30;
	[sflag:s15] =	ssyncset.done $0x0  }
0x2a: {  	s20 =	sadd.s32 s26, s21;
	[sflag:s15] =	ssyncadd.s32 $0xFFFFC000  }
0x2b: {  	[hbm4b:s20+s2] =	stream.linear.scatter [tilespmem:s12], [sflag:$0x2], $0x4000, $0x38;
	[tilespmem:$0x10400] =	vst v63  }
0x2c: {  	_ =	swait.ge [sflag:s3], $0x4000  }
0x2d: {  	[sflag:s3] =	ssyncset.done $0x0  }
0x2e: {  	[sflag:s3] =	ssyncadd.s32 $0xFFFFC000  }
0x2f: {  	_ =	swait.ge [sflag:s15], $0x4000  }
0x30: {  	[sflag:s15] =	ssyncset.done $0x0  }
0x31: {  	s21 =	sadd.s32 s29, s21;
	[sflag:s15] =	ssyncadd.s32 $0xFFFFC000  }
0x32: {  	[hbm4b:s21+s2] =	stream.linear.scatter [tilespmem:s14], [sflag:$0x2], $0x4000, $0x38;
	[tilespmem:$0x10400] =	vst v63  }
0x33: {  	_ =	swait.ge [sflag:s3], $0x4000  }
0x34: {  	[sflag:s3] =	ssyncset.done $0x0  }
0x35: {  	s22 =	simm.s32 $0x180;
	[sflag:s3] =	ssyncadd.s32 $0xFFFFC000  }
0x36: {  	[tilespmem:s12], [sflag:$0x1] =	stream.indirect.gather [hbm4b:s7+s8], $0x80, s22, s8, $0xb8;
	[tilespmem:$0x10400] =	vst v63  }
0x37: {  	s23 =	simm.s32 $0x380  }
0x38: {  	[tilespmem:s14], [sflag:$0x1] =	stream.indirect.gather [hbm4b:s10+s8], $0x80, s23, s8, $0xb8;
	[tilespmem:$0x10400] =	vst v63  }
0x39: {  	_ =	swait.ge [sflag:s15], $0x4000  }
0x3a: {  	s25 =	sor.u32 $0x1000, s30;
	[sflag:s15] =	ssyncset.done $0x0  }
0x3b: {  	s24 =	sadd.s32 s26, s25;
	[sflag:s15] =	ssyncadd.s32 $0xFFFFC000  }
0x3c: {  	[hbm4b:s24+s2] =	stream.linear.scatter [tilespmem:s9], [sflag:$0x2], $0x4000, $0x38;
	[tilespmem:$0x10400] =	vst v63  }
0x3d: {  	_ =	swait.ge [sflag:s3], $0x4000  }
0x3e: {  	[sflag:s3] =	ssyncset.done $0x0  }
0x3f: {  	[sflag:s3] =	ssyncadd.s32 $0xFFFFC000  }
0x40: {  	_ =	swait.ge [sflag:s15], $0x4000  }
0x41: {  	[sflag:s15] =	ssyncset.done $0x0  }
0x42: {  	s25 =	sadd.s32 s29, s25;
	[sflag:s15] =	ssyncadd.s32 $0xFFFFC000  }
0x43: {  	[hbm4b:s25+s2] =	stream.linear.scatter [tilespmem:s11], [sflag:$0x2], $0x4000, $0x38;
	[tilespmem:$0x10400] =	vst v63  }
0x44: {  	_ =	swait.ge [sflag:s3], $0x4000  }
0x45: {  	[sflag:s3] =	ssyncset.done $0x0  }
0x46: {  	[sflag:s3] =	ssyncadd.s32 $0xFFFFC000  }
0x47: {  	_ =	swait.ge [sflag:s15], $0x4000  }
0x48: {  	s30 =	sor.u32 $0x1800, s30;
	[sflag:s15] =	ssyncset.done $0x0  }
0x49: {  	s28 =	ssub.s32 $0x2, s28;
	s26 =	sadd.s32 s26, s30;
	[sflag:s15] =	ssyncadd.s32 $0xFFFFC000  }
0x4a: {  	[hbm4b:s26+s2] =	stream.linear.scatter [tilespmem:s12], [sflag:$0x2], $0x4000, $0x38;
	[tilespmem:$0x10400] =	vst v63  }
0x4b: {  	s31 =	sshrl.u32 s28, $0x1;
	_ =	swait.ge [sflag:s3], $0x4000  }
0x4c: {  	s31 =	ssub.s32 s28, s31;
	[sflag:s3] =	ssyncset.done $0x0  }
0x4d: {  	s28 =	sadd.s32 s29, s30;
	s29 =	smax.u32 s31, $0x1;
	[sflag:s3] =	ssyncadd.s32 $0xFFFFC000  }
0x4e: {  	p0 =	sne.s32 s29, $0x1;
	_ =	swait.ge [sflag:s15], $0x4000  }
.Ltmp0:
0x4f: {  	[sflag:s15] =	ssyncset.done $0x0;
	(pc) =	sbr.rel @!p0 .LBB2_2-.Ltmp0, $4  }
0x50: {  	[sflag:s15] =	ssyncadd.s32 $0xFFFFC000  }
0x51: {  	[hbm4b:s28+s2] =	stream.linear.scatter [tilespmem:s14], [sflag:$0x2], $0x4000, $0x38;
	[tilespmem:$0x10400] =	vst v63  }
0x52: {  	_ =	swait.ge [sflag:s3], $0x4000  }
0x53: {  	s29 =	sadd.s32 $0xFFFFFFFF, s29;
	[sflag:s3] =	ssyncset.done $0x0  }
.LBB2_1:
0x54: {  	p0 =	sne.s32 s29, $0x1;
	s29 =	sadd.s32 $0xFFFFFFFF, s29;
	[sflag:s3] =	ssyncadd.s32 $0xFFFFC000  }
0x55: {  	[tilespmem:s2], [sflag:$0x2] =	stream.linear.gather [hbm4b:s4+s2], $0x200, $0x38;
	[tilespmem:$0x10400] =	vst v63  }
0x56: {  	_ =	swait.ge [sflag:s3], $0x200  }
0x57: {  	[sflag:s3] =	ssyncset.done $0x0  }
0x58: {  	[sflag:s3] =	ssyncadd.s32 $0xFFFFFE00  }
0x59: {  	[tilespmem:s6], [sflag:$0x2] =	stream.linear.gather [hbm4b:s5+s2], $0x200, $0x38;
	[tilespmem:$0x10400] =	vst v63  }
0x5a: {  	_ =	swait.ge [sflag:s3], $0x200  }
0x5b: {  	[sflag:s3] =	ssyncset.done $0x0  }
0x5c: {  	[sflag:s3] =	ssyncadd.s32 $0xFFFFFE00  }
0x5d: {  	[tilespmem:s9], [sflag:$0x1] =	stream.indirect.gather [hbm4b:s7+s8], $0x80, s2, s8, $0xb8;
	[tilespmem:$0x10400] =	vst v63  }
0x5e: {  	_ = 	snop  }
0x5f: {  	[tilespmem:s11], [sflag:$0x1] =	stream.indirect.gather [hbm4b:s10+s8], $0x80, s6, s8, $0xb8;
	[tilespmem:$0x10400] =	vst v63  }
0x60: {  	_ = 	snop  }
0x61: {  	[tilespmem:s12], [sflag:$0x1] =	stream.indirect.gather [hbm4b:s7+s8], $0x80, s8, s8, $0xb8;
	[tilespmem:$0x10400] =	vst v63  }
0x62: {  	_ = 	snop  }
0x63: {  	[tilespmem:s14], [sflag:$0x1] =	stream.indirect.gather [hbm4b:s10+s8], $0x80, s13, s8, $0xb8;
	[tilespmem:$0x10400] =	vst v63  }
0x64: {  	_ =	swait.ge [sflag:s15], $0x4000  }
0x65: {  	[sflag:s15] =	ssyncset.done $0x0  }
0x66: {  	[sflag:s15] =	ssyncadd.s32 $0xFFFFC000  }
0x67: {  	[hbm4b:s16+s2] =	stream.linear.scatter [tilespmem:s9], [sflag:$0x2], $0x4000, $0x38;
	[tilespmem:$0x10400] =	vst v63  }
0x68: {  	_ =	swait.ge [sflag:s3], $0x4000  }
0x69: {  	[sflag:s3] =	ssyncset.done $0x0  }
0x6a: {  	[sflag:s3] =	ssyncadd.s32 $0xFFFFC000  }
0x6b: {  	_ =	swait.ge [sflag:s15], $0x4000  }
0x6c: {  	[sflag:s15] =	ssyncset.done $0x0  }
0x6d: {  	[sflag:s15] =	ssyncadd.s32 $0xFFFFC000  }
0x6e: {  	[hbm4b:s17+s2] =	stream.linear.scatter [tilespmem:s11], [sflag:$0x2], $0x4000, $0x38;
	[tilespmem:$0x10400] =	vst v63  }
0x6f: {  	_ =	swait.ge [sflag:s3], $0x4000  }
0x70: {  	[sflag:s3] =	ssyncset.done $0x0  }
0x71: {  	[sflag:s3] =	ssyncadd.s32 $0xFFFFC000  }
0x72: {  	[tilespmem:s9], [sflag:$0x1] =	stream.indirect.gather [hbm4b:s7+s8], $0x80, s18, s8, $0xb8;
	[tilespmem:$0x10400] =	vst v63  }
0x73: {  	_ = 	snop  }
0x74: {  	[tilespmem:s11], [sflag:$0x1] =	stream.indirect.gather [hbm4b:s10+s8], $0x80, s19, s8, $0xb8;
	[tilespmem:$0x10400] =	vst v63  }
0x75: {  	_ =	swait.ge [sflag:s15], $0x4000  }
0x76: {  	[sflag:s15] =	ssyncset.done $0x0  }
0x77: {  	[sflag:s15] =	ssyncadd.s32 $0xFFFFC000  }
0x78: {  	[hbm4b:s20+s2] =	stream.linear.scatter [tilespmem:s12], [sflag:$0x2], $0x4000, $0x38;
	[tilespmem:$0x10400] =	vst v63  }
0x79: {  	_ =	swait.ge [sflag:s3], $0x4000  }
0x7a: {  	[sflag:s3] =	ssyncset.done $0x0  }
0x7b: {  	[sflag:s3] =	ssyncadd.s32 $0xFFFFC000  }
0x7c: {  	_ =	swait.ge [sflag:s15], $0x4000  }
0x7d: {  	[sflag:s15] =	ssyncset.done $0x0  }
0x7e: {  	[sflag:s15] =	ssyncadd.s32 $0xFFFFC000  }
0x7f: {  	[hbm4b:s21+s2] =	stream.linear.scatter [tilespmem:s14], [sflag:$0x2], $0x4000, $0x38;
	[tilespmem:$0x10400] =	vst v63  }
0x80: {  	_ =	swait.ge [sflag:s3], $0x4000  }
0x81: {  	[sflag:s3] =	ssyncset.done $0x0  }
0x82: {  	[sflag:s3] =	ssyncadd.s32 $0xFFFFC000  }
0x83: {  	[tilespmem:s12], [sflag:$0x1] =	stream.indirect.gather [hbm4b:s7+s8], $0x80, s22, s8, $0xb8;
	[tilespmem:$0x10400] =	vst v63  }
0x84: {  	_ = 	snop  }
0x85: {  	[tilespmem:s14], [sflag:$0x1] =	stream.indirect.gather [hbm4b:s10+s8], $0x80, s23, s8, $0xb8;
	[tilespmem:$0x10400] =	vst v63  }
0x86: {  	_ =	swait.ge [sflag:s15], $0x4000  }
0x87: {  	[sflag:s15] =	ssyncset.done $0x0  }
0x88: {  	[sflag:s15] =	ssyncadd.s32 $0xFFFFC000  }
0x89: {  	[hbm4b:s24+s2] =	stream.linear.scatter [tilespmem:s9], [sflag:$0x2], $0x4000, $0x38;
	[tilespmem:$0x10400] =	vst v63  }
0x8a: {  	_ =	swait.ge [sflag:s3], $0x4000  }
0x8b: {  	[sflag:s3] =	ssyncset.done $0x0  }
0x8c: {  	[sflag:s3] =	ssyncadd.s32 $0xFFFFC000  }
0x8d: {  	_ =	swait.ge [sflag:s15], $0x4000  }
0x8e: {  	[sflag:s15] =	ssyncset.done $0x0  }
0x8f: {  	[sflag:s15] =	ssyncadd.s32 $0xFFFFC000  }
0x90: {  	[hbm4b:s25+s2] =	stream.linear.scatter [tilespmem:s11], [sflag:$0x2], $0x4000, $0x38;
	[tilespmem:$0x10400] =	vst v63  }
0x91: {  	_ =	swait.ge [sflag:s3], $0x4000  }
0x92: {  	[sflag:s3] =	ssyncset.done $0x0  }
0x93: {  	[sflag:s3] =	ssyncadd.s32 $0xFFFFC000  }
0x94: {  	_ =	swait.ge [sflag:s15], $0x4000  }
0x95: {  	[sflag:s15] =	ssyncset.done $0x0  }
0x96: {  	[sflag:s15] =	ssyncadd.s32 $0xFFFFC000  }
0x97: {  	[hbm4b:s26+s2] =	stream.linear.scatter [tilespmem:s12], [sflag:$0x2], $0x4000, $0x38;
	[tilespmem:$0x10400] =	vst v63  }
0x98: {  	_ =	swait.ge [sflag:s3], $0x4000  }
0x99: {  	[sflag:s3] =	ssyncset.done $0x0  }
0x9a: {  	[sflag:s3] =	ssyncadd.s32 $0xFFFFC000  }
0x9b: {  	_ =	swait.ge [sflag:s15], $0x4000  }
.Ltmp1:
0x9c: {  	[sflag:s15] =	ssyncset.done $0x0;
	(pc) =	sbr.rel @p0 .LBB2_1-.Ltmp1, $4  }
0x9d: {  	[sflag:s15] =	ssyncadd.s32 $0xFFFFC000  }
0x9e: {  	[hbm4b:s28+s2] =	stream.linear.scatter [tilespmem:s14], [sflag:$0x2], $0x4000, $0x38;
	[tilespmem:$0x10400] =	vst v63  }
0x9f: {  	_ =	swait.ge [sflag:s3], $0x4000  }
0xa0: {  	[sflag:s3] =	ssyncset.done $0x0  }
.LBB2_2:
0xa1: {  	[sflag:s3] =	ssyncadd.s32 $0xFFFFC000  }
0xa2: {  	_ =	sfence.sel $0x180000  }
0xa3: {  	[bflag:$0x0] =	sbarrier.arrive $0xFFFF  }
0xa4: {  	p0 =	sne.s32 s0, $0x0;
	_ =	strace $0x90000047  }
0xa5: {  	s0 =	sadd.s32 @!p0 $0x100000, s1;
	[bflag:$0x2] =	sbarrier.arrive $0xFFFF  }
0xa6: {  	[sflag:s0] =	ssyncadd.tile.s32 @!p0 $0x1;
	_ =	shalt  }
.Lfunc_end2:
_tile_overlayer_lowered:
.L_overlay_start_2:
0xa7: {  	(tag) =	ssettag $0x2  }
0xa8: {  	s0 =	rddreg [dreg:$0x0];
	s2 =	stileid.u32  }
0xa9: {  	s1 =	rddreg [dreg:$0x1];
	p0 =	sne.s32 s2, $0x0  }
0xaa: {  	s3 =	rddreg [dreg:$0x2];
	[bflag:$0x3] =	sbarrier.arrive $0xFFFF;
	s2 =	simm.s32 @!p0 $0x1C02  }
0xab: {  	[timem:s3], [sflag:s2] =	dma.local @!p0 [hbm:s0], s1  }
0xac: {  	s0 =	simm.s32 @!p0 $0x2  }
0xad: {  	_ =	swait.ge @!p0 [sflag:s0], s1  }
0xae: {  	s1 =	ssub.s32 @!p0 $0x0, s1;
	[sflag:s0] =	ssyncset.done @!p0 $0x0  }
0xaf: {  	[sflag:s0] =	ssyncadd.s32 @!p0 s1  }
0xb0: {  	[bflag:$0x3] =	sbarrier.arrive $0xFFFF  }
0xb1: {  	_ =	shalt  }

</sc_bundles>
